<compile_context>
chip_gen: v7x
topology: tpu7x:2x2x1
jax: 0.10.2.dev20260603
libtpu: 0.0.44.dev20260713+nightly
codegen_flags: <defaults>
</compile_context>

<pallas_src>
import functools

import jax
import jax.numpy as jnp
from jax import lax
from jax.experimental import pallas as pl
from jax.experimental.pallas import tpu as pltpu
from jax.experimental.pallas import tpu_sc as plsc

_E = 64
_D = 768
_DFF = 768
_T = 2048
_C = 64
_NW = 32
_TPW = _T // _NW
_EPS = 2
_NSTEP = _E // _EPS + 2
_EO_ROWS = _NSTEP * _EPS * _C
_SPW = _E * _C // _NW
_TPAD = _T + 8


def _gate_body(x_ref, wg_ref, sx_ref, slot_ref, tm_ref):
    x = x_ref[...]
    logits = jnp.dot(x, wg_ref[...], preferred_element_type=jnp.float32)
    m = jnp.max(logits, axis=1, keepdims=True)
    e = jnp.exp(logits - m)
    p = e / jnp.sum(e, axis=1, keepdims=True)
    gate = jnp.max(p, axis=1, keepdims=True)
    lane = lax.broadcasted_iota(jnp.int32, p.shape, 1)
    idx = jnp.min(jnp.where(p == gate, lane, _E), axis=1, keepdims=True)
    onehot = (lane == idx).astype(jnp.float32)

    nb = _T // 128
    oh3 = onehot.astype(jnp.bfloat16).reshape(nb, 128, _E)
    r = lax.broadcasted_iota(jnp.int32, (128, 128), 0)
    c = lax.broadcasted_iota(jnp.int32, (128, 128), 1)
    tril = (r >= c).astype(jnp.bfloat16)
    totals = jnp.sum(onehot.reshape(nb, 128, _E), axis=1)
    rb = lax.broadcasted_iota(jnp.int32, (nb, nb), 0)
    cb = lax.broadcasted_iota(jnp.int32, (nb, nb), 1)
    stril = (rb > cb).astype(jnp.float32)
    offs = jnp.dot(stril, totals, preferred_element_type=jnp.float32,
                   precision=lax.Precision.HIGHEST)
    blocks = []
    for b in range(nb):
        incl = jnp.dot(tril, oh3[b], preferred_element_type=jnp.float32)
        blocks.append(incl + offs[b:b + 1, :])
    locations = jnp.concatenate(blocks, axis=0) - 1.0

    keepm = onehot * (locations < float(_C)).astype(jnp.float32)
    kept = jnp.sum(keepm, axis=1, keepdims=True)
    loc1 = jnp.sum(locations * keepm, axis=1, keepdims=True)
    slot_f = idx.astype(jnp.float32) * float(_C) + loc1
    slot_ref[...] = jnp.where(kept > 0, slot_f, float(_E * _C)).astype(jnp.int32)

    loc_lane = lax.broadcasted_iota(jnp.int32, (_T, _C), 1).astype(jnp.float32)
    loc1hot = (loc_lane == loc1).astype(jnp.float32) * kept
    tvals = (lax.broadcasted_iota(jnp.int32, (_T, 1), 0) + 1).astype(jnp.float32)
    a = lax.dot_general(onehot, loc1hot * tvals,
                        dimension_numbers=(((0,), (0,)), ((), ())),
                        preferred_element_type=jnp.float32,
                        precision=lax.Precision.HIGHEST)
    er = lax.broadcasted_iota(jnp.int32, (_E, _C), 0)
    ec = lax.broadcasted_iota(jnp.int32, (_E, _C), 1)
    spread = (er * _C + ec) % _T
    tm_ref[...] = jnp.where(a > 0.5, a - 1.0,
                            spread.astype(jnp.float32)).astype(jnp.int32)

    sx = x * (gate * kept)
    sx_ref[...] = jnp.concatenate(
        [sx, jnp.zeros((_TPAD - _T, _D), jnp.float32)], axis=0)


def _gate(tokens, Wg):
    return pl.pallas_call(
        _gate_body,
        out_shape=(jax.ShapeDtypeStruct((_TPAD, _D), jnp.float32),
                   jax.ShapeDtypeStruct((_T, 1), jnp.int32),
                   jax.ShapeDtypeStruct((_E, _C), jnp.int32)),
    )(tokens, Wg)


def _mlp_body(disp_ref, w1_ref, w2_ref, out_ref):
    e = pl.program_id(0)

    @pl.when(e < _E // _EPS)
    def _():
        x = disp_ref[...]
        for k in range(_EPS):
            xk = x[k * _C:(k + 1) * _C]
            h = jnp.maximum(
                jnp.dot(xk, w1_ref[k], preferred_element_type=jnp.float32), 0.0)
            out_ref[k * _C:(k + 1) * _C, :] = jnp.dot(
                h, w2_ref[k], preferred_element_type=jnp.float32)

    @pl.when(e >= _E // _EPS)
    def _():
        out_ref[...] = jnp.zeros_like(out_ref)


def _mlp(disp, W1, W2):
    nmax = _E // _EPS - 1
    return pl.pallas_call(
        _mlp_body,
        grid=(_NSTEP,),
        in_specs=[
            pl.BlockSpec((_EPS * _C, _D), lambda e: (e, 0)),
            pl.BlockSpec((_EPS, _D, _DFF), lambda e: (jnp.minimum(e, nmax), 0, 0)),
            pl.BlockSpec((_EPS, _DFF, _D), lambda e: (jnp.minimum(e, nmax), 0, 0)),
        ],
        out_specs=pl.BlockSpec((_EPS * _C, _D), lambda e: (e, 0)),
        out_shape=jax.ShapeDtypeStruct((_EO_ROWS, _D), jnp.float32),
    )(disp, W1, W2)


@functools.cache
def _sc_kernels():
    mesh = plsc.VectorSubcoreMesh(core_axis_name="c", subcore_axis_name="s")

    @functools.partial(
        pl.kernel,
        out_type=jax.ShapeDtypeStruct((_EO_ROWS, _D), jnp.float32),
        mesh=mesh,
        scratch_types=[pltpu.VMEM((_SPW,), jnp.int32),
                       pltpu.VMEM((_SPW, _D), jnp.float32),
                       pltpu.SemaphoreType.DMA],
    )
    def dispatch_sc(sx_hbm, tm_hbm, disp_hbm, idx_v, rows_v, sem):
        wid = lax.axis_index("s") * 2 + lax.axis_index("c")
        base = wid * _SPW
        pltpu.sync_copy(tm_hbm.at[wid], idx_v)
        pltpu.async_copy(sx_hbm.at[idx_v], rows_v, sem).wait()
        pltpu.sync_copy(rows_v, disp_hbm.at[pl.ds(base, _SPW)])

    @functools.partial(
        pl.kernel,
        out_type=jax.ShapeDtypeStruct((_T, _D), jnp.float32),
        mesh=mesh,
        scratch_types=[pltpu.VMEM((_TPW,), jnp.int32),
                       pltpu.VMEM((_TPW, _D), jnp.float32),
                       pltpu.SemaphoreType.DMA],
    )
    def combine_sc(eo_hbm, slot_hbm, out_hbm, idx_v, rows_v, sem):
        wid = lax.axis_index("s") * 2 + lax.axis_index("c")
        base = wid * _TPW
        pltpu.sync_copy(slot_hbm.at[wid], idx_v)
        pltpu.async_copy(eo_hbm.at[idx_v], rows_v, sem).wait()
        pltpu.sync_copy(rows_v, out_hbm.at[pl.ds(base, _TPW)])

    return dispatch_sc, combine_sc


def kernel(hidden_states, Wg, W1, W2):
    B, S, D = hidden_states.shape
    tokens = jnp.transpose(hidden_states, (1, 0, 2)).reshape(S * B, D)
    dispatch_sc, combine_sc = _sc_kernels()
    sx, slot, tm = _gate(tokens, Wg)
    slot_w = slot.reshape(_NW, _TPW)
    tm_w = tm.reshape(_NW, _SPW)
    disp = dispatch_sc(sx, tm_w)
    eo = _mlp(disp, W1, W2)
    out_tok = combine_sc(eo, slot_w)
    return jnp.transpose(out_tok.reshape(S, B, D), (1, 0, 2))

# --- scband reference (transcript-rebuilt; emitter-appended) ---
"""Pipeline reference for scband-mo-elayer-60026462929319 (READ-ONLY COPY).

The authoritative reference and input builder live on the scoring server;
editing this copy changes nothing except your own understanding.
"""

import jax, jax.numpy as jnp
import numpy as np

E = 64
TOPK = 1
D = 768
DFF = 768
B = 1
S = 2048
CAP_FACTOR = 2.0


def setup_inputs(seed: int = 0) -> dict:
    key = jax.random.key(seed)
    k1, k2, k3, k4 = jax.random.split(key, 4)
    hidden_states = jax.random.normal(k1, (B, S, D), dtype=jnp.float32)
    Wg = jax.random.normal(k2, (D, E), dtype=jnp.float32) * 0.02
    W1 = jax.random.normal(k3, (E, D, DFF), dtype=jnp.float32) * 0.02
    W2 = jax.random.normal(k4, (E, DFF, D), dtype=jnp.float32) * 0.02
    return {"hidden_states": hidden_states, "Wg": Wg, "W1": W1, "W2": W2}


def _moe_forward(hidden_states, Wg, W1, W2):
    # hidden_states: [B, S, D]. Module does transpose(0,1) before gating.
    x = jnp.transpose(hidden_states, (1, 0, 2))  # [S, B, D]
    Sdim, Bdim, Ddim = x.shape
    tokens = x.reshape(-1, Ddim)  # [T, D]
    T = tokens.shape[0]
    Eexp = Wg.shape[1]

    # --- Gate (top-1, GShard-style with aux loss and capacity) ---
    logits = tokens @ Wg  # [T, E]
    probs = jax.nn.softmax(logits, axis=-1)
    gate_val = jnp.max(probs, axis=-1)          # [T]
    expert_idx = jnp.argmax(probs, axis=-1)     # [T] int
    mask1 = jax.nn.one_hot(expert_idx, Eexp, dtype=jnp.float32)  # [T, E]
    me = jnp.mean(probs, axis=0)
    ce = jnp.mean(mask1, axis=0)
    l_aux = jnp.sum(me * ce) * Eexp

    capacity = int(CAP_FACTOR * T // Eexp)
    locations = jnp.cumsum(mask1, axis=0) - 1.0  # position within expert
    mask1 = mask1 * (locations < capacity).astype(jnp.float32)  # drop overflow
    kept = jnp.sum(mask1, axis=1)  # [T] 1.0 if routed, else 0.0
    locations1 = jnp.sum(locations * mask1, axis=1).astype(jnp.int32)  # [T]
    gate_val = gate_val * kept

    loc_sc = jax.nn.one_hot(locations1, capacity, dtype=jnp.float32) * kept[:, None]  # [T, C]
    combine = gate_val[:, None, None] * mask1[:, :, None] * loc_sc[:, None, :]  # [T, E, C]
    dispatch = mask1[:, :, None] * loc_sc[:, None, :]  # [T, E, C] 0/1

    # --- Token dispatch (scatter into per-expert buffers) ---
    dispatched = jnp.einsum('tec,td->ecd', dispatch, tokens)  # [E, C, D]

    # --- Experts: per-expert 2-layer MLP ---
    h = jax.nn.relu(jnp.einsum('ecd,edf->ecf', dispatched, W1))
    expert_out = jnp.einsum('ecf,efd->ecd', h, W2)  # [E, C, D]

    # --- Gather / combine weighted by gate values ---
    out_tokens = jnp.einsum('tec,ecd->td', combine, expert_out)  # [T, D]
    out = out_tokens.reshape(Sdim, Bdim, Ddim)
    out = jnp.transpose(out, (1, 0, 2))  # transpose back: [B, S, D]
    return out, l_aux


def reference(hidden_states, Wg, W1, W2):
    out, l_aux = _moe_forward(hidden_states, Wg, W1, W2)
    return out

if __name__ == "__main__":
    import jax
    _d = setup_inputs()
    print(jax.jit(kernel)(*tuple(_d.values())))

</pallas_src>

<mosaic_0001>
#map = affine_map<(d0, d1) -> (0, 0)>
module attributes {stable_mosaic.version = 14 : i64} {
  func.func @dispatch_sc(%arg0: i32, %arg1: i32, %arg2: memref<2056x768xf32, #tpu.memory_space<hbm>>, %arg3: memref<32x128xi32, #tpu.memory_space<hbm>>, %arg4: memref<4352x768xf32, #tpu.memory_space<hbm>>, %arg5: memref<128xi32, #tpu.memory_space<vmem>>, %arg6: memref<128x768xf32, #tpu.memory_space<vmem>>, %arg7: memref<!tpu.dma_semaphore, #tpu.memory_space<semaphore_mem>>) attributes {dimension_semantics = [#tpu.dimension_semantics<core_parallel>, #tpu.dimension_semantics<subcore_parallel>], iteration_bounds = array<i64: 2, 16>, scalar_prefetch = 0 : i64, scratch_operands = 3 : i64, tpu.core_type = #tpu.core_type<sc_vector_subcore>, window_params = [{transform_indices = #map}, {transform_indices = #map}, {transform_indices = #map}]} {
    %mul3A = arith.constant 2 : i32
    %mul3A_0 = arith.muli %arg1, %mul3A : i32
    %add3A = arith.addi %mul3A_0, %arg0 : i32
    %mul3A_1 = arith.constant 128 : i32
    %mul3A_2 = arith.muli %add3A, %mul3A_1 : i32
    "tpu.region"() ({
      %run_scoped3A = tpu.sem_alloc : memref<!tpu.dma_semaphore, #tpu.memory_space<semaphore_mem>>
      %dma_start3A_7 = arith.constant 0 : i32
      %dma_start3A_8 = tpu.memref_slice %arg3[%add3A, %dma_start3A_7] : memref<32x128xi32, #tpu.memory_space<hbm>> -> memref<1x128xi32, #tpu.memory_space<hbm>>
      %dma_start3A_9 = tpu.memref_squeeze %dma_start3A_8 : memref<1x128xi32, #tpu.memory_space<hbm>> -> memref<128xi32, #tpu.memory_space<hbm>>
      %dma_start3A_10 = arith.constant 0 : i32
      %dma_start3A_11 = tpu.memref_slice %arg3[%add3A, %dma_start3A_10] : memref<32x128xi32, #tpu.memory_space<hbm>> -> memref<1x128xi32, #tpu.memory_space<hbm>>
      %dma_start3A_12 = tpu.memref_squeeze %dma_start3A_11 : memref<1x128xi32, #tpu.memory_space<hbm>> -> memref<128xi32, #tpu.memory_space<hbm>>
      tpu.enqueue_dma source(%dma_start3A_12 : memref<128xi32, #tpu.memory_space<hbm>>) target(%arg5 : memref<128xi32, #tpu.memory_space<vmem>>) target_semaphore(%run_scoped3A : memref<!tpu.dma_semaphore, #tpu.memory_space<semaphore_mem>>)
      %dma_wait3A_13 = arith.constant 0 : i32
      %dma_wait3A_14 = tpu.memref_slice %arg3[%add3A, %dma_wait3A_13] : memref<32x128xi32, #tpu.memory_space<hbm>> -> memref<1x128xi32, #tpu.memory_space<hbm>>
      %dma_wait3A_15 = tpu.memref_squeeze %dma_wait3A_14 : memref<1x128xi32, #tpu.memory_space<hbm>> -> memref<128xi32, #tpu.memory_space<hbm>>
      %dma_wait3A_16 = arith.constant 0 : i32
      %dma_wait3A_17 = tpu.memref_slice %arg3[%add3A, %dma_wait3A_16] : memref<32x128xi32, #tpu.memory_space<hbm>> -> memref<1x128xi32, #tpu.memory_space<hbm>>
      %dma_wait3A_18 = tpu.memref_squeeze %dma_wait3A_17 : memref<1x128xi32, #tpu.memory_space<hbm>> -> memref<128xi32, #tpu.memory_space<hbm>>
      tpu.wait_dma2 semaphore(%run_scoped3A : memref<!tpu.dma_semaphore, #tpu.memory_space<semaphore_mem>>) src(%dma_wait3A_18 : memref<128xi32, #tpu.memory_space<hbm>>) dst(%arg5 : memref<128xi32, #tpu.memory_space<vmem>>)
      tpu.yield
    }) : () -> ()
    %dma_start3A = arith.constant 0 : i32
    %dma_start3A_3 = arith.constant 0 : i32
    %dma_start3A_4 = tpu.memref_slice %arg2[%dma_start3A, %dma_start3A_3] : memref<2056x768xf32, #tpu.memory_space<hbm>> -> memref<2056x768xf32, #tpu.memory_space<hbm>>
    tpu.enqueue_indirect_dma source(%dma_start3A_4 : memref<2056x768xf32, #tpu.memory_space<hbm>>) target(%arg6 : memref<128x768xf32, #tpu.memory_space<vmem>>) offsets(%arg5 : memref<128xi32, #tpu.memory_space<vmem>>) semaphore(%arg7 : memref<!tpu.dma_semaphore, #tpu.memory_space<semaphore_mem>>)
    %dma_wait3A = arith.constant 0 : i32
    %dma_wait3A_5 = arith.constant 0 : i32
    %dma_wait3A_6 = tpu.memref_slice %arg2[%dma_wait3A, %dma_wait3A_5] : memref<2056x768xf32, #tpu.memory_space<hbm>> -> memref<2056x768xf32, #tpu.memory_space<hbm>>
    tpu.wait_indirect_dma semaphore(%arg7 : memref<!tpu.dma_semaphore, #tpu.memory_space<semaphore_mem>>) src(%dma_wait3A_6 : memref<2056x768xf32, #tpu.memory_space<hbm>>) dst(%arg6 : memref<128x768xf32, #tpu.memory_space<vmem>>)
    "tpu.region"() ({
      %run_scoped3A = tpu.sem_alloc : memref<!tpu.dma_semaphore, #tpu.memory_space<semaphore_mem>>
      %dma_start3A_7 = arith.constant 0 : i32
      %dma_start3A_8 = tpu.memref_slice %arg4[%mul3A_2, %dma_start3A_7] : memref<4352x768xf32, #tpu.memory_space<hbm>> -> memref<128x768xf32, #tpu.memory_space<hbm>>
      %dma_start3A_9 = arith.constant 0 : i32
      %dma_start3A_10 = tpu.memref_slice %arg4[%mul3A_2, %dma_start3A_9] : memref<4352x768xf32, #tpu.memory_space<hbm>> -> memref<128x768xf32, #tpu.memory_space<hbm>>
      tpu.enqueue_dma source(%arg6 : memref<128x768xf32, #tpu.memory_space<vmem>>) target(%dma_start3A_10 : memref<128x768xf32, #tpu.memory_space<hbm>>) target_semaphore(%run_scoped3A : memref<!tpu.dma_semaphore, #tpu.memory_space<semaphore_mem>>)
      %dma_wait3A_11 = arith.constant 0 : i32
      %dma_wait3A_12 = tpu.memref_slice %arg4[%mul3A_2, %dma_wait3A_11] : memref<4352x768xf32, #tpu.memory_space<hbm>> -> memref<128x768xf32, #tpu.memory_space<hbm>>
      %dma_wait3A_13 = arith.constant 0 : i32
      %dma_wait3A_14 = tpu.memref_slice %arg4[%mul3A_2, %dma_wait3A_13] : memref<4352x768xf32, #tpu.memory_space<hbm>> -> memref<128x768xf32, #tpu.memory_space<hbm>>
      tpu.wait_dma2 semaphore(%run_scoped3A : memref<!tpu.dma_semaphore, #tpu.memory_space<semaphore_mem>>) src(%arg6 : memref<128x768xf32, #tpu.memory_space<vmem>>) dst(%dma_wait3A_14 : memref<128x768xf32, #tpu.memory_space<hbm>>)
      tpu.yield
    }) : () -> ()
    return
  }
}

#map = affine_map<(d0, d1) -> (0, 0)>
module attributes {stable_mosaic.version = 14 : i64} {
  func.func @combine_sc(%arg0: i32, %arg1: i32, %arg2: memref<4352x768xf32, #tpu.memory_space<hbm>>, %arg3: memref<32x64xi32, #tpu.memory_space<hbm>>, %arg4: memref<2048x768xf32, #tpu.memory_space<hbm>>, %arg5: memref<64xi32, #tpu.memory_space<vmem>>, %arg6: memref<64x768xf32, #tpu.memory_space<vmem>>, %arg7: memref<!tpu.dma_semaphore, #tpu.memory_space<semaphore_mem>>) attributes {dimension_semantics = [#tpu.dimension_semantics<core_parallel>, #tpu.dimension_semantics<subcore_parallel>], iteration_bounds = array<i64: 2, 16>, scalar_prefetch = 0 : i64, scratch_operands = 3 : i64, tpu.core_type = #tpu.core_type<sc_vector_subcore>, window_params = [{transform_indices = #map}, {transform_indices = #map}, {transform_indices = #map}]} {
    %mul3A = arith.constant 2 : i32
    %mul3A_0 = arith.muli %arg1, %mul3A : i32
    %add3A = arith.addi %mul3A_0, %arg0 : i32
    %mul3A_1 = arith.constant 64 : i32
    %mul3A_2 = arith.muli %add3A, %mul3A_1 : i32
    "tpu.region"() ({
      %run_scoped3A = tpu.sem_alloc : memref<!tpu.dma_semaphore, #tpu.memory_space<semaphore_mem>>
      %dma_start3A_7 = arith.constant 0 : i32
      %dma_start3A_8 = tpu.memref_slice %arg3[%add3A, %dma_start3A_7] : memref<32x64xi32, #tpu.memory_space<hbm>> -> memref<1x64xi32, #tpu.memory_space<hbm>>
      %dma_start3A_9 = tpu.memref_squeeze %dma_start3A_8 : memref<1x64xi32, #tpu.memory_space<hbm>> -> memref<64xi32, #tpu.memory_space<hbm>>
      %dma_start3A_10 = arith.constant 0 : i32
      %dma_start3A_11 = tpu.memref_slice %arg3[%add3A, %dma_start3A_10] : memref<32x64xi32, #tpu.memory_space<hbm>> -> memref<1x64xi32, #tpu.memory_space<hbm>>
      %dma_start3A_12 = tpu.memref_squeeze %dma_start3A_11 : memref<1x64xi32, #tpu.memory_space<hbm>> -> memref<64xi32, #tpu.memory_space<hbm>>
      tpu.enqueue_dma source(%dma_start3A_12 : memref<64xi32, #tpu.memory_space<hbm>>) target(%arg5 : memref<64xi32, #tpu.memory_space<vmem>>) target_semaphore(%run_scoped3A : memref<!tpu.dma_semaphore, #tpu.memory_space<semaphore_mem>>)
      %dma_wait3A_13 = arith.constant 0 : i32
      %dma_wait3A_14 = tpu.memref_slice %arg3[%add3A, %dma_wait3A_13] : memref<32x64xi32, #tpu.memory_space<hbm>> -> memref<1x64xi32, #tpu.memory_space<hbm>>
      %dma_wait3A_15 = tpu.memref_squeeze %dma_wait3A_14 : memref<1x64xi32, #tpu.memory_space<hbm>> -> memref<64xi32, #tpu.memory_space<hbm>>
      %dma_wait3A_16 = arith.constant 0 : i32
      %dma_wait3A_17 = tpu.memref_slice %arg3[%add3A, %dma_wait3A_16] : memref<32x64xi32, #tpu.memory_space<hbm>> -> memref<1x64xi32, #tpu.memory_space<hbm>>
      %dma_wait3A_18 = tpu.memref_squeeze %dma_wait3A_17 : memref<1x64xi32, #tpu.memory_space<hbm>> -> memref<64xi32, #tpu.memory_space<hbm>>
      tpu.wait_dma2 semaphore(%run_scoped3A : memref<!tpu.dma_semaphore, #tpu.memory_space<semaphore_mem>>) src(%dma_wait3A_18 : memref<64xi32, #tpu.memory_space<hbm>>) dst(%arg5 : memref<64xi32, #tpu.memory_space<vmem>>)
      tpu.yield
    }) : () -> ()
    %dma_start3A = arith.constant 0 : i32
    %dma_start3A_3 = arith.constant 0 : i32
    %dma_start3A_4 = tpu.memref_slice %arg2[%dma_start3A, %dma_start3A_3] : memref<4352x768xf32, #tpu.memory_space<hbm>> -> memref<4352x768xf32, #tpu.memory_space<hbm>>
    tpu.enqueue_indirect_dma source(%dma_start3A_4 : memref<4352x768xf32, #tpu.memory_space<hbm>>) target(%arg6 : memref<64x768xf32, #tpu.memory_space<vmem>>) offsets(%arg5 : memref<64xi32, #tpu.memory_space<vmem>>) semaphore(%arg7 : memref<!tpu.dma_semaphore, #tpu.memory_space<semaphore_mem>>)
    %dma_wait3A = arith.constant 0 : i32
    %dma_wait3A_5 = arith.constant 0 : i32
    %dma_wait3A_6 = tpu.memref_slice %arg2[%dma_wait3A, %dma_wait3A_5] : memref<4352x768xf32, #tpu.memory_space<hbm>> -> memref<4352x768xf32, #tpu.memory_space<hbm>>
    tpu.wait_indirect_dma semaphore(%arg7 : memref<!tpu.dma_semaphore, #tpu.memory_space<semaphore_mem>>) src(%dma_wait3A_6 : memref<4352x768xf32, #tpu.memory_space<hbm>>) dst(%arg6 : memref<64x768xf32, #tpu.memory_space<vmem>>)
    "tpu.region"() ({
      %run_scoped3A = tpu.sem_alloc : memref<!tpu.dma_semaphore, #tpu.memory_space<semaphore_mem>>
      %dma_start3A_7 = arith.constant 0 : i32
      %dma_start3A_8 = tpu.memref_slice %arg4[%mul3A_2, %dma_start3A_7] : memref<2048x768xf32, #tpu.memory_space<hbm>> -> memref<64x768xf32, #tpu.memory_space<hbm>>
      %dma_start3A_9 = arith.constant 0 : i32
      %dma_start3A_10 = tpu.memref_slice %arg4[%mul3A_2, %dma_start3A_9] : memref<2048x768xf32, #tpu.memory_space<hbm>> -> memref<64x768xf32, #tpu.memory_space<hbm>>
      tpu.enqueue_dma source(%arg6 : memref<64x768xf32, #tpu.memory_space<vmem>>) target(%dma_start3A_10 : memref<64x768xf32, #tpu.memory_space<hbm>>) target_semaphore(%run_scoped3A : memref<!tpu.dma_semaphore, #tpu.memory_space<semaphore_mem>>)
      %dma_wait3A_11 = arith.constant 0 : i32
      %dma_wait3A_12 = tpu.memref_slice %arg4[%mul3A_2, %dma_wait3A_11] : memref<2048x768xf32, #tpu.memory_space<hbm>> -> memref<64x768xf32, #tpu.memory_space<hbm>>
      %dma_wait3A_13 = arith.constant 0 : i32
      %dma_wait3A_14 = tpu.memref_slice %arg4[%mul3A_2, %dma_wait3A_13] : memref<2048x768xf32, #tpu.memory_space<hbm>> -> memref<64x768xf32, #tpu.memory_space<hbm>>
      tpu.wait_dma2 semaphore(%run_scoped3A : memref<!tpu.dma_semaphore, #tpu.memory_space<semaphore_mem>>) src(%arg6 : memref<64x768xf32, #tpu.memory_space<vmem>>) dst(%dma_wait3A_14 : memref<64x768xf32, #tpu.memory_space<hbm>>)
      tpu.yield
    }) : () -> ()
    return
  }
}

module attributes {stable_mosaic.version = 14 : i64} {
  func.func @_gate_body(%arg0: memref<2048x768xf32, #tpu.memory_space<vmem>>, %arg1: memref<768x64xf32, #tpu.memory_space<vmem>>, %arg2: memref<2056x768xf32, #tpu.memory_space<vmem>>, %arg3: memref<2048x1xi32, #tpu.memory_space<vmem>>, %arg4: memref<64x64xi32, #tpu.memory_space<vmem>>) attributes {dimension_semantics = [], scalar_prefetch = 0 : i64, scratch_operands = 0 : i64, tpu.core_type = #tpu.core_type<tc>} {
    %get3A = arith.constant 0 : index
    %get3A_0 = arith.constant 0 : index
    %get3A_1 = vector.load %arg0[%get3A, %get3A_0] : memref<2048x768xf32, #tpu.memory_space<vmem>>, vector<2048x768xf32>
    %get3A_2 = arith.constant 0 : index
    %get3A_3 = arith.constant 0 : index
    %get3A_4 = vector.load %arg1[%get3A_2, %get3A_3] : memref<768x64xf32, #tpu.memory_space<vmem>>, vector<768x64xf32>
    %dot_general3A = arith.constant dense<0.000000e+00> : vector<2048x64xf32>
    %dot_general3A_5 = tpu.matmul %get3A_1, %get3A_4, %dot_general3A {dimension_numbers = #tpu.dot_dimension_numbers<[1], [0], [0], [1], [0, 0, 1, 1], [], []>, transpose_lhs_hint = false} : vector<2048x768xf32>, vector<768x64xf32>, vector<2048x64xf32> -> vector<2048x64xf32>
    %reduce_max3A = arith.constant dense<0xFF800000> : vector<2048xf32>
    %reduce_max3A_6 = vector.multi_reduction <maximumf>, %dot_general3A_5, %reduce_max3A [1] : vector<2048x64xf32> to vector<2048xf32>
    %broadcast_in_dim3A = vector.shape_cast %reduce_max3A_6 : vector<2048xf32> to vector<2048x1xf32>
    %sub3A = vector.broadcast %broadcast_in_dim3A : vector<2048x1xf32> to vector<2048x64xf32>
    %sub3A_7 = arith.subf %dot_general3A_5, %sub3A : vector<2048x64xf32>
    %exp3A = math.exp %sub3A_7 : vector<2048x64xf32>
    %reduce_sum3A = arith.constant dense<0.000000e+00> : vector<2048xf32>
    %reduce_sum3A_8 = vector.multi_reduction <add>, %exp3A, %reduce_sum3A [1] : vector<2048x64xf32> to vector<2048xf32>
    %broadcast_in_dim3A_9 = vector.shape_cast %reduce_sum3A_8 : vector<2048xf32> to vector<2048x1xf32>
    %div3A = vector.broadcast %broadcast_in_dim3A_9 : vector<2048x1xf32> to vector<2048x64xf32>
    %div3A_10 = arith.divf %exp3A, %div3A : vector<2048x64xf32>
    %reduce_max3A_11 = arith.constant dense<0xFF800000> : vector<2048xf32>
    %reduce_max3A_12 = vector.multi_reduction <maximumf>, %div3A_10, %reduce_max3A_11 [1] : vector<2048x64xf32> to vector<2048xf32>
    %broadcast_in_dim3A_13 = vector.shape_cast %reduce_max3A_12 : vector<2048xf32> to vector<2048x1xf32>
    %iota3A = tpu.iota {dimensions = array<i32: 1>} : vector<2048x64xi32>
    %eq3A = vector.broadcast %broadcast_in_dim3A_13 : vector<2048x1xf32> to vector<2048x64xf32>
    %eq3A_14 = arith.cmpf oeq, %div3A_10, %eq3A : vector<2048x64xf32>
    %jit3A = arith.constant 64 : i32
    %broadcast_in_dim3A_15 = vector.broadcast %jit3A : i32 to vector<2048x64xi32>
    %select_n3A = arith.select %eq3A_14, %iota3A, %broadcast_in_dim3A_15 : vector<2048x64xi1>, vector<2048x64xi32>
    %reduce_min3A = arith.constant dense<2147483647> : vector<2048xi32>
    %reduce_min3A_16 = vector.multi_reduction <minsi>, %select_n3A, %reduce_min3A [1] : vector<2048x64xi32> to vector<2048xi32>
    %broadcast_in_dim3A_17 = vector.shape_cast %reduce_min3A_16 : vector<2048xi32> to vector<2048x1xi32>
    %eq3A_18 = vector.broadcast %broadcast_in_dim3A_17 : vector<2048x1xi32> to vector<2048x64xi32>
    %eq3A_19 = arith.cmpi eq, %iota3A, %eq3A_18 : vector<2048x64xi32>
    %convert_element_type3A = arith.extui %eq3A_19 : vector<2048x64xi1> to vector<2048x64xi32>
    %convert_element_type3A_20 = arith.sitofp %convert_element_type3A : vector<2048x64xi32> to vector<2048x64xf32>
    %convert_element_type3A_21 = arith.truncf %convert_element_type3A_20 : vector<2048x64xf32> to vector<2048x64xbf16>
    %reshape3A = vector.shape_cast %convert_element_type3A_21 : vector<2048x64xbf16> to vector<16x128x64xbf16>
    %iota3A_22 = tpu.iota {dimensions = array<i32: 0>} : vector<128x128xi32>
    %iota3A_23 = tpu.iota {dimensions = array<i32: 1>} : vector<128x128xi32>
    %ge3A = arith.cmpi sge, %iota3A_22, %iota3A_23 : vector<128x128xi32>
    %convert_element_type3A_24 = arith.extui %ge3A : vector<128x128xi1> to vector<128x128xi32>
    %convert_element_type3A_25 = arith.sitofp %convert_element_type3A_24 : vector<128x128xi32> to vector<128x128xf32>
    %convert_element_type3A_26 = arith.truncf %convert_element_type3A_25 : vector<128x128xf32> to vector<128x128xbf16>
    %reshape3A_27 = vector.shape_cast %convert_element_type3A_20 : vector<2048x64xf32> to vector<16x128x64xf32>
    %reduce_sum3A_28 = arith.constant dense<0.000000e+00> : vector<16x64xf32>
    %reduce_sum3A_29 = vector.multi_reduction <add>, %reshape3A_27, %reduce_sum3A_28 [1] : vector<16x128x64xf32> to vector<16x64xf32>
    %iota3A_30 = tpu.iota {dimensions = array<i32: 0>} : vector<16x16xi32>
    %iota3A_31 = tpu.iota {dimensions = array<i32: 1>} : vector<16x16xi32>
    %gt3A = arith.cmpi sgt, %iota3A_30, %iota3A_31 : vector<16x16xi32>
    %convert_element_type3A_32 = arith.extui %gt3A : vector<16x16xi1> to vector<16x16xi32>
    %convert_element_type3A_33 = arith.sitofp %convert_element_type3A_32 : vector<16x16xi32> to vector<16x16xf32>
    %dot_general3A_34 = arith.constant dense<0.000000e+00> : vector<16x64xf32>
    %dot_general3A_35 = tpu.matmul %convert_element_type3A_33, %reduce_sum3A_29, %dot_general3A_34 {dimension_numbers = #tpu.dot_dimension_numbers<[1], [0], [0], [1], [0, 0, 1, 1], [], []>, precision = #tpu.contract_precision<fp32>, transpose_lhs_hint = false} : vector<16x16xf32>, vector<16x64xf32>, vector<16x64xf32> -> vector<16x64xf32>
    %slice3A = vector.extract_strided_slice %reshape3A {offsets = [0, 0, 0], sizes = [1, 128, 64], strides = [1, 1, 1]} : vector<16x128x64xbf16> to vector<1x128x64xbf16>
    %squeeze3A = vector.shape_cast %slice3A : vector<1x128x64xbf16> to vector<128x64xbf16>
    %dot_general3A_36 = arith.constant dense<0.000000e+00> : vector<128x64xf32>
    %dot_general3A_37 = tpu.matmul %convert_element_type3A_26, %squeeze3A, %dot_general3A_36 {dimension_numbers = #tpu.dot_dimension_numbers<[1], [0], [0], [1], [0, 0, 1, 1], [], []>, transpose_lhs_hint = false} : vector<128x128xbf16>, vector<128x64xbf16>, vector<128x64xf32> -> vector<128x64xf32>
    %slice3A_38 = vector.extract_strided_slice %dot_general3A_35 {offsets = [0, 0], sizes = [1, 64], strides = [1, 1]} : vector<16x64xf32> to vector<1x64xf32>
    %add3A = vector.broadcast %slice3A_38 : vector<1x64xf32> to vector<128x64xf32>
    %add3A_39 = arith.addf %dot_general3A_37, %add3A : vector<128x64xf32>
    %slice3A_40 = vector.extract_strided_slice %reshape3A {offsets = [1, 0, 0], sizes = [1, 128, 64], strides = [1, 1, 1]} : vector<16x128x64xbf16> to vector<1x128x64xbf16>
    %squeeze3A_41 = vector.shape_cast %slice3A_40 : vector<1x128x64xbf16> to vector<128x64xbf16>
    %dot_general3A_42 = arith.constant dense<0.000000e+00> : vector<128x64xf32>
    %dot_general3A_43 = tpu.matmul %convert_element_type3A_26, %squeeze3A_41, %dot_general3A_42 {dimension_numbers = #tpu.dot_dimension_numbers<[1], [0], [0], [1], [0, 0, 1, 1], [], []>, transpose_lhs_hint = false} : vector<128x128xbf16>, vector<128x64xbf16>, vector<128x64xf32> -> vector<128x64xf32>
    %slice3A_44 = vector.extract_strided_slice %dot_general3A_35 {offsets = [1, 0], sizes = [1, 64], strides = [1, 1]} : vector<16x64xf32> to vector<1x64xf32>
    %add3A_45 = vector.broadcast %slice3A_44 : vector<1x64xf32> to vector<128x64xf32>
    %add3A_46 = arith.addf %dot_general3A_43, %add3A_45 : vector<128x64xf32>
    %slice3A_47 = vector.extract_strided_slice %reshape3A {offsets = [2, 0, 0], sizes = [1, 128, 64], strides = [1, 1, 1]} : vector<16x128x64xbf16> to vector<1x128x64xbf16>
    %squeeze3A_48 = vector.shape_cast %slice3A_47 : vector<1x128x64xbf16> to vector<128x64xbf16>
    %dot_general3A_49 = arith.constant dense<0.000000e+00> : vector<128x64xf32>
    %dot_general3A_50 = tpu.matmul %convert_element_type3A_26, %squeeze3A_48, %dot_general3A_49 {dimension_numbers = #tpu.dot_dimension_numbers<[1], [0], [0], [1], [0, 0, 1, 1], [], []>, transpose_lhs_hint = false} : vector<128x128xbf16>, vector<128x64xbf16>, vector<128x64xf32> -> vector<128x64xf32>
    %slice3A_51 = vector.extract_strided_slice %dot_general3A_35 {offsets = [2, 0], sizes = [1, 64], strides = [1, 1]} : vector<16x64xf32> to vector<1x64xf32>
    %add3A_52 = vector.broadcast %slice3A_51 : vector<1x64xf32> to vector<128x64xf32>
    %add3A_53 = arith.addf %dot_general3A_50, %add3A_52 : vector<128x64xf32>
    %slice3A_54 = vector.extract_strided_slice %reshape3A {offsets = [3, 0, 0], sizes = [1, 128, 64], strides = [1, 1, 1]} : vector<16x128x64xbf16> to vector<1x128x64xbf16>
    %squeeze3A_55 = vector.shape_cast %slice3A_54 : vector<1x128x64xbf16> to vector<128x64xbf16>
    %dot_general3A_56 = arith.constant dense<0.000000e+00> : vector<128x64xf32>
    %dot_general3A_57 = tpu.matmul %convert_element_type3A_26, %squeeze3A_55, %dot_general3A_56 {dimension_numbers = #tpu.dot_dimension_numbers<[1], [0], [0], [1], [0, 0, 1, 1], [], []>, transpose_lhs_hint = false} : vector<128x128xbf16>, vector<128x64xbf16>, vector<128x64xf32> -> vector<128x64xf32>
    %slice3A_58 = vector.extract_strided_slice %dot_general3A_35 {offsets = [3, 0], sizes = [1, 64], strides = [1, 1]} : vector<16x64xf32> to vector<1x64xf32>
    %add3A_59 = vector.broadcast %slice3A_58 : vector<1x64xf32> to vector<128x64xf32>
    %add3A_60 = arith.addf %dot_general3A_57, %add3A_59 : vector<128x64xf32>
    %slice3A_61 = vector.extract_strided_slice %reshape3A {offsets = [4, 0, 0], sizes = [1, 128, 64], strides = [1, 1, 1]} : vector<16x128x64xbf16> to vector<1x128x64xbf16>
    %squeeze3A_62 = vector.shape_cast %slice3A_61 : vector<1x128x64xbf16> to vector<128x64xbf16>
    %dot_general3A_63 = arith.constant dense<0.000000e+00> : vector<128x64xf32>
    %dot_general3A_64 = tpu.matmul %convert_element_type3A_26, %squeeze3A_62, %dot_general3A_63 {dimension_numbers = #tpu.dot_dimension_numbers<[1], [0], [0], [1], [0, 0, 1, 1], [], []>, transpose_lhs_hint = false} : vector<128x128xbf16>, vector<128x64xbf16>, vector<128x64xf32> -> vector<128x64xf32>
    %slice3A_65 = vector.extract_strided_slice %dot_general3A_35 {offsets = [4, 0], sizes = [1, 64], strides = [1, 1]} : vector<16x64xf32> to vector<1x64xf32>
    %add3A_66 = vector.broadcast %slice3A_65 : vector<1x64xf32> to vector<128x64xf32>
    %add3A_67 = arith.addf %dot_general3A_64, %add3A_66 : vector<128x64xf32>
    %slice3A_68 = vector.extract_strided_slice %reshape3A {offsets = [5, 0, 0], sizes = [1, 128, 64], strides = [1, 1, 1]} : vector<16x128x64xbf16> to vector<1x128x64xbf16>
    %squeeze3A_69 = vector.shape_cast %slice3A_68 : vector<1x128x64xbf16> to vector<128x64xbf16>
    %dot_general3A_70 = arith.constant dense<0.000000e+00> : vector<128x64xf32>
    %dot_general3A_71 = tpu.matmul %convert_element_type3A_26, %squeeze3A_69, %dot_general3A_70 {dimension_numbers = #tpu.dot_dimension_numbers<[1], [0], [0], [1], [0, 0, 1, 1], [], []>, transpose_lhs_hint = false} : vector<128x128xbf16>, vector<128x64xbf16>, vector<128x64xf32> -> vector<128x64xf32>
    %slice3A_72 = vector.extract_strided_slice %dot_general3A_35 {offsets = [5, 0], sizes = [1, 64], strides = [1, 1]} : vector<16x64xf32> to vector<1x64xf32>
    %add3A_73 = vector.broadcast %slice3A_72 : vector<1x64xf32> to vector<128x64xf32>
    %add3A_74 = arith.addf %dot_general3A_71, %add3A_73 : vector<128x64xf32>
    %slice3A_75 = vector.extract_strided_slice %reshape3A {offsets = [6, 0, 0], sizes = [1, 128, 64], strides = [1, 1, 1]} : vector<16x128x64xbf16> to vector<1x128x64xbf16>
    %squeeze3A_76 = vector.shape_cast %slice3A_75 : vector<1x128x64xbf16> to vector<128x64xbf16>
    %dot_general3A_77 = arith.constant dense<0.000000e+00> : vector<128x64xf32>
    %dot_general3A_78 = tpu.matmul %convert_element_type3A_26, %squeeze3A_76, %dot_general3A_77 {dimension_numbers = #tpu.dot_dimension_numbers<[1], [0], [0], [1], [0, 0, 1, 1], [], []>, transpose_lhs_hint = false} : vector<128x128xbf16>, vector<128x64xbf16>, vector<128x64xf32> -> vector<128x64xf32>
    %slice3A_79 = vector.extract_strided_slice %dot_general3A_35 {offsets = [6, 0], sizes = [1, 64], strides = [1, 1]} : vector<16x64xf32> to vector<1x64xf32>
    %add3A_80 = vector.broadcast %slice3A_79 : vector<1x64xf32> to vector<128x64xf32>
    %add3A_81 = arith.addf %dot_general3A_78, %add3A_80 : vector<128x64xf32>
    %slice3A_82 = vector.extract_strided_slice %reshape3A {offsets = [7, 0, 0], sizes = [1, 128, 64], strides = [1, 1, 1]} : vector<16x128x64xbf16> to vector<1x128x64xbf16>
    %squeeze3A_83 = vector.shape_cast %slice3A_82 : vector<1x128x64xbf16> to vector<128x64xbf16>
    %dot_general3A_84 = arith.constant dense<0.000000e+00> : vector<128x64xf32>
    %dot_general3A_85 = tpu.matmul %convert_element_type3A_26, %squeeze3A_83, %dot_general3A_84 {dimension_numbers = #tpu.dot_dimension_numbers<[1], [0], [0], [1], [0, 0, 1, 1], [], []>, transpose_lhs_hint = false} : vector<128x128xbf16>, vector<128x64xbf16>, vector<128x64xf32> -> vector<128x64xf32>
    %slice3A_86 = vector.extract_strided_slice %dot_general3A_35 {offsets = [7, 0], sizes = [1, 64], strides = [1, 1]} : vector<16x64xf32> to vector<1x64xf32>
    %add3A_87 = vector.broadcast %slice3A_86 : vector<1x64xf32> to vector<128x64xf32>
    %add3A_88 = arith.addf %dot_general3A_85, %add3A_87 : vector<128x64xf32>
    %slice3A_89 = vector.extract_strided_slice %reshape3A {offsets = [8, 0, 0], sizes = [1, 128, 64], strides = [1, 1, 1]} : vector<16x128x64xbf16> to vector<1x128x64xbf16>
    %squeeze3A_90 = vector.shape_cast %slice3A_89 : vector<1x128x64xbf16> to vector<128x64xbf16>
    %dot_general3A_91 = arith.constant dense<0.000000e+00> : vector<128x64xf32>
    %dot_general3A_92 = tpu.matmul %convert_element_type3A_26, %squeeze3A_90, %dot_general3A_91 {dimension_numbers = #tpu.dot_dimension_numbers<[1], [0], [0], [1], [0, 0, 1, 1], [], []>, transpose_lhs_hint = false} : vector<128x128xbf16>, vector<128x64xbf16>, vector<128x64xf32> -> vector<128x64xf32>
    %slice3A_93 = vector.extract_strided_slice %dot_general3A_35 {offsets = [8, 0], sizes = [1, 64], strides = [1, 1]} : vector<16x64xf32> to vector<1x64xf32>
    %add3A_94 = vector.broadcast %slice3A_93 : vector<1x64xf32> to vector<128x64xf32>
    %add3A_95 = arith.addf %dot_general3A_92, %add3A_94 : vector<128x64xf32>
    %slice3A_96 = vector.extract_strided_slice %reshape3A {offsets = [9, 0, 0], sizes = [1, 128, 64], strides = [1, 1, 1]} : vector<16x128x64xbf16> to vector<1x128x64xbf16>
    %squeeze3A_97 = vector.shape_cast %slice3A_96 : vector<1x128x64xbf16> to vector<128x64xbf16>
    %dot_general3A_98 = arith.constant dense<0.000000e+00> : vector<128x64xf32>
    %dot_general3A_99 = tpu.matmul %convert_element_type3A_26, %squeeze3A_97, %dot_general3A_98 {dimension_numbers = #tpu.dot_dimension_numbers<[1], [0], [0], [1], [0, 0, 1, 1], [], []>, transpose_lhs_hint = false} : vector<128x128xbf16>, vector<128x64xbf16>, vector<128x64xf32> -> vector<128x64xf32>
    %slice3A_100 = vector.extract_strided_slice %dot_general3A_35 {offsets = [9, 0], sizes = [1, 64], strides = [1, 1]} : vector<16x64xf32> to vector<1x64xf32>
    %add3A_101 = vector.broadcast %slice3A_100 : vector<1x64xf32> to vector<128x64xf32>
    %add3A_102 = arith.addf %dot_general3A_99, %add3A_101 : vector<128x64xf32>
    %slice3A_103 = vector.extract_strided_slice %reshape3A {offsets = [10, 0, 0], sizes = [1, 128, 64], strides = [1, 1, 1]} : vector<16x128x64xbf16> to vector<1x128x64xbf16>
    %squeeze3A_104 = vector.shape_cast %slice3A_103 : vector<1x128x64xbf16> to vector<128x64xbf16>
    %dot_general3A_105 = arith.constant dense<0.000000e+00> : vector<128x64xf32>
    %dot_general3A_106 = tpu.matmul %convert_element_type3A_26, %squeeze3A_104, %dot_general3A_105 {dimension_numbers = #tpu.dot_dimension_numbers<[1], [0], [0], [1], [0, 0, 1, 1], [], []>, transpose_lhs_hint = false} : vector<128x128xbf16>, vector<128x64xbf16>, vector<128x64xf32> -> vector<128x64xf32>
    %slice3A_107 = vector.extract_strided_slice %dot_general3A_35 {offsets = [10, 0], sizes = [1, 64], strides = [1, 1]} : vector<16x64xf32> to vector<1x64xf32>
    %add3A_108 = vector.broadcast %slice3A_107 : vector<1x64xf32> to vector<128x64xf32>
    %add3A_109 = arith.addf %dot_general3A_106, %add3A_108 : vector<128x64xf32>
    %slice3A_110 = vector.extract_strided_slice %reshape3A {offsets = [11, 0, 0], sizes = [1, 128, 64], strides = [1, 1, 1]} : vector<16x128x64xbf16> to vector<1x128x64xbf16>
    %squeeze3A_111 = vector.shape_cast %slice3A_110 : vector<1x128x64xbf16> to vector<128x64xbf16>
    %dot_general3A_112 = arith.constant dense<0.000000e+00> : vector<128x64xf32>
    %dot_general3A_113 = tpu.matmul %convert_element_type3A_26, %squeeze3A_111, %dot_general3A_112 {dimension_numbers = #tpu.dot_dimension_numbers<[1], [0], [0], [1], [0, 0, 1, 1], [], []>, transpose_lhs_hint = false} : vector<128x128xbf16>, vector<128x64xbf16>, vector<128x64xf32> -> vector<128x64xf32>
    %slice3A_114 = vector.extract_strided_slice %dot_general3A_35 {offsets = [11, 0], sizes = [1, 64], strides = [1, 1]} : vector<16x64xf32> to vector<1x64xf32>
    %add3A_115 = vector.broadcast %slice3A_114 : vector<1x64xf32> to vector<128x64xf32>
    %add3A_116 = arith.addf %dot_general3A_113, %add3A_115 : vector<128x64xf32>
    %slice3A_117 = vector.extract_strided_slice %reshape3A {offsets = [12, 0, 0], sizes = [1, 128, 64], strides = [1, 1, 1]} : vector<16x128x64xbf16> to vector<1x128x64xbf16>
    %squeeze3A_118 = vector.shape_cast %slice3A_117 : vector<1x128x64xbf16> to vector<128x64xbf16>
    %dot_general3A_119 = arith.constant dense<0.000000e+00> : vector<128x64xf32>
    %dot_general3A_120 = tpu.matmul %convert_element_type3A_26, %squeeze3A_118, %dot_general3A_119 {dimension_numbers = #tpu.dot_dimension_numbers<[1], [0], [0], [1], [0, 0, 1, 1], [], []>, transpose_lhs_hint = false} : vector<128x128xbf16>, vector<128x64xbf16>, vector<128x64xf32> -> vector<128x64xf32>
    %slice3A_121 = vector.extract_strided_slice %dot_general3A_35 {offsets = [12, 0], sizes = [1, 64], strides = [1, 1]} : vector<16x64xf32> to vector<1x64xf32>
    %add3A_122 = vector.broadcast %slice3A_121 : vector<1x64xf32> to vector<128x64xf32>
    %add3A_123 = arith.addf %dot_general3A_120, %add3A_122 : vector<128x64xf32>
    %slice3A_124 = vector.extract_strided_slice %reshape3A {offsets = [13, 0, 0], sizes = [1, 128, 64], strides = [1, 1, 1]} : vector<16x128x64xbf16> to vector<1x128x64xbf16>
    %squeeze3A_125 = vector.shape_cast %slice3A_124 : vector<1x128x64xbf16> to vector<128x64xbf16>
    %dot_general3A_126 = arith.constant dense<0.000000e+00> : vector<128x64xf32>
    %dot_general3A_127 = tpu.matmul %convert_element_type3A_26, %squeeze3A_125, %dot_general3A_126 {dimension_numbers = #tpu.dot_dimension_numbers<[1], [0], [0], [1], [0, 0, 1, 1], [], []>, transpose_lhs_hint = false} : vector<128x128xbf16>, vector<128x64xbf16>, vector<128x64xf32> -> vector<128x64xf32>
    %slice3A_128 = vector.extract_strided_slice %dot_general3A_35 {offsets = [13, 0], sizes = [1, 64], strides = [1, 1]} : vector<16x64xf32> to vector<1x64xf32>
    %add3A_129 = vector.broadcast %slice3A_128 : vector<1x64xf32> to vector<128x64xf32>
    %add3A_130 = arith.addf %dot_general3A_127, %add3A_129 : vector<128x64xf32>
    %slice3A_131 = vector.extract_strided_slice %reshape3A {offsets = [14, 0, 0], sizes = [1, 128, 64], strides = [1, 1, 1]} : vector<16x128x64xbf16> to vector<1x128x64xbf16>
    %squeeze3A_132 = vector.shape_cast %slice3A_131 : vector<1x128x64xbf16> to vector<128x64xbf16>
    %dot_general3A_133 = arith.constant dense<0.000000e+00> : vector<128x64xf32>
    %dot_general3A_134 = tpu.matmul %convert_element_type3A_26, %squeeze3A_132, %dot_general3A_133 {dimension_numbers = #tpu.dot_dimension_numbers<[1], [0], [0], [1], [0, 0, 1, 1], [], []>, transpose_lhs_hint = false} : vector<128x128xbf16>, vector<128x64xbf16>, vector<128x64xf32> -> vector<128x64xf32>
    %slice3A_135 = vector.extract_strided_slice %dot_general3A_35 {offsets = [14, 0], sizes = [1, 64], strides = [1, 1]} : vector<16x64xf32> to vector<1x64xf32>
    %add3A_136 = vector.broadcast %slice3A_135 : vector<1x64xf32> to vector<128x64xf32>
    %add3A_137 = arith.addf %dot_general3A_134, %add3A_136 : vector<128x64xf32>
    %slice3A_138 = vector.extract_strided_slice %reshape3A {offsets = [15, 0, 0], sizes = [1, 128, 64], strides = [1, 1, 1]} : vector<16x128x64xbf16> to vector<1x128x64xbf16>
    %squeeze3A_139 = vector.shape_cast %slice3A_138 : vector<1x128x64xbf16> to vector<128x64xbf16>
    %dot_general3A_140 = arith.constant dense<0.000000e+00> : vector<128x64xf32>
    %dot_general3A_141 = tpu.matmul %convert_element_type3A_26, %squeeze3A_139, %dot_general3A_140 {dimension_numbers = #tpu.dot_dimension_numbers<[1], [0], [0], [1], [0, 0, 1, 1], [], []>, transpose_lhs_hint = false} : vector<128x128xbf16>, vector<128x64xbf16>, vector<128x64xf32> -> vector<128x64xf32>
    %slice3A_142 = vector.extract_strided_slice %dot_general3A_35 {offsets = [15, 0], sizes = [1, 64], strides = [1, 1]} : vector<16x64xf32> to vector<1x64xf32>
    %add3A_143 = vector.broadcast %slice3A_142 : vector<1x64xf32> to vector<128x64xf32>
    %add3A_144 = arith.addf %dot_general3A_141, %add3A_143 : vector<128x64xf32>
    %concatenate3A = tpu.concatenate %add3A_39, %add3A_46, %add3A_53, %add3A_60, %add3A_67, %add3A_74, %add3A_81, %add3A_88, %add3A_95, %add3A_102, %add3A_109, %add3A_116, %add3A_123, %add3A_130, %add3A_137, %add3A_144 in 0 : vector<128x64xf32>, vector<128x64xf32>, vector<128x64xf32>, vector<128x64xf32>, vector<128x64xf32>, vector<128x64xf32>, vector<128x64xf32>, vector<128x64xf32>, vector<128x64xf32>, vector<128x64xf32>, vector<128x64xf32>, vector<128x64xf32>, vector<128x64xf32>, vector<128x64xf32>, vector<128x64xf32>, vector<128x64xf32> -> vector<2048x64xf32>
    %sub3A_145 = arith.constant 1.000000e+00 : f32
    %sub3A_146 = vector.broadcast %sub3A_145 : f32 to vector<2048x64xf32>
    %sub3A_147 = arith.subf %concatenate3A, %sub3A_146 : vector<2048x64xf32>
    %lt3A = arith.constant 6.400000e+01 : f32
    %lt3A_148 = vector.broadcast %lt3A : f32 to vector<2048x64xf32>
    %lt3A_149 = arith.cmpf olt, %sub3A_147, %lt3A_148 : vector<2048x64xf32>
    %convert_element_type3A_150 = arith.extui %lt3A_149 : vector<2048x64xi1> to vector<2048x64xi32>
    %convert_element_type3A_151 = arith.sitofp %convert_element_type3A_150 : vector<2048x64xi32> to vector<2048x64xf32>
    %mul3A = arith.mulf %convert_element_type3A_20, %convert_element_type3A_151 : vector<2048x64xf32>
    %reduce_sum3A_152 = arith.constant dense<0.000000e+00> : vector<2048xf32>
    %reduce_sum3A_153 = vector.multi_reduction <add>, %mul3A, %reduce_sum3A_152 [1] : vector<2048x64xf32> to vector<2048xf32>
    %broadcast_in_dim3A_154 = vector.shape_cast %reduce_sum3A_153 : vector<2048xf32> to vector<2048x1xf32>
    %mul3A_155 = arith.mulf %sub3A_147, %mul3A : vector<2048x64xf32>
    %reduce_sum3A_156 = arith.constant dense<0.000000e+00> : vector<2048xf32>
    %reduce_sum3A_157 = vector.multi_reduction <add>, %mul3A_155, %reduce_sum3A_156 [1] : vector<2048x64xf32> to vector<2048xf32>
    %broadcast_in_dim3A_158 = vector.shape_cast %reduce_sum3A_157 : vector<2048xf32> to vector<2048x1xf32>
    %convert_element_type3A_159 = arith.sitofp %broadcast_in_dim3A_17 : vector<2048x1xi32> to vector<2048x1xf32>
    %mul3A_160 = arith.constant 6.400000e+01 : f32
    %mul3A_161 = vector.broadcast %mul3A_160 : f32 to vector<2048x1xf32>
    %mul3A_162 = arith.mulf %convert_element_type3A_159, %mul3A_161 : vector<2048x1xf32>
    %add3A_163 = arith.addf %mul3A_162, %broadcast_in_dim3A_158 : vector<2048x1xf32>
    %gt3A_164 = arith.constant 0.000000e+00 : f32
    %gt3A_165 = vector.broadcast %gt3A_164 : f32 to vector<2048x1xf32>
    %gt3A_166 = arith.cmpf ogt, %broadcast_in_dim3A_154, %gt3A_165 : vector<2048x1xf32>
    %jit3A_167 = arith.constant 4.096000e+03 : f32
    %broadcast_in_dim3A_168 = vector.broadcast %jit3A_167 : f32 to vector<2048x1xf32>
    %select_n3A_169 = arith.select %gt3A_166, %add3A_163, %broadcast_in_dim3A_168 : vector<2048x1xi1>, vector<2048x1xf32>
    %convert_element_type3A_170 = arith.fptosi %select_n3A_169 : vector<2048x1xf32> to vector<2048x1xi32>
    %swap3A = arith.constant 0 : index
    %swap3A_171 = arith.constant 0 : index
    %swap3A_172 = vector.load %arg3[%swap3A, %swap3A_171] : memref<2048x1xi32, #tpu.memory_space<vmem>>, vector<2048x1xi32>
    tpu.vector_store %arg3[%swap3A, %swap3A_171], %convert_element_type3A_170 {strides = array<i32>} : memref<2048x1xi32, #tpu.memory_space<vmem>>, vector<2048x1xi32>,
    %iota3A_173 = tpu.iota {dimensions = array<i32: 1>} : vector<2048x64xi32>
    %convert_element_type3A_174 = arith.sitofp %iota3A_173 : vector<2048x64xi32> to vector<2048x64xf32>
    %eq3A_175 = vector.broadcast %broadcast_in_dim3A_158 : vector<2048x1xf32> to vector<2048x64xf32>
    %eq3A_176 = arith.cmpf oeq, %convert_element_type3A_174, %eq3A_175 : vector<2048x64xf32>
    %convert_element_type3A_177 = arith.extui %eq3A_176 : vector<2048x64xi1> to vector<2048x64xi32>
    %convert_element_type3A_178 = arith.sitofp %convert_element_type3A_177 : vector<2048x64xi32> to vector<2048x64xf32>
    %mul3A_179 = vector.broadcast %broadcast_in_dim3A_154 : vector<2048x1xf32> to vector<2048x64xf32>
    %mul3A_180 = arith.mulf %convert_element_type3A_178, %mul3A_179 : vector<2048x64xf32>
    %iota3A_181 = tpu.iota {dimensions = array<i32: 0>} : vector<2048x1xi32>
    %add3A_182 = arith.constant 1 : i32
    %add3A_183 = vector.broadcast %add3A_182 : i32 to vector<2048x1xi32>
    %add3A_184 = arith.addi %iota3A_181, %add3A_183 : vector<2048x1xi32>
    %convert_element_type3A_185 = arith.sitofp %add3A_184 : vector<2048x1xi32> to vector<2048x1xf32>
    %mul3A_186 = vector.broadcast %convert_element_type3A_185 : vector<2048x1xf32> to vector<2048x64xf32>
    %mul3A_187 = arith.mulf %mul3A_180, %mul3A_186 : vector<2048x64xf32>
    %dot_general3A_188 = arith.constant dense<0.000000e+00> : vector<64x64xf32>
    %dot_general3A_189 = tpu.matmul %convert_element_type3A_20, %mul3A_187, %dot_general3A_188 {dimension_numbers = #tpu.dot_dimension_numbers<[0], [0], [1], [1], [0, 1, 1, 1], [], []>, precision = #tpu.contract_precision<fp32>, transpose_lhs_hint = false} : vector<2048x64xf32>, vector<2048x64xf32>, vector<64x64xf32> -> vector<64x64xf32>
    %iota3A_190 = tpu.iota {dimensions = array<i32: 0>} : vector<64x64xi32>
    %iota3A_191 = tpu.iota {dimensions = array<i32: 1>} : vector<64x64xi32>
    %mul3A_192 = arith.constant 64 : i32
    %mul3A_193 = vector.broadcast %mul3A_192 : i32 to vector<64x64xi32>
    %mul3A_194 = arith.muli %iota3A_190, %mul3A_193 : vector<64x64xi32>
    %add3A_195 = arith.addi %mul3A_194, %iota3A_191 : vector<64x64xi32>
    %jit3A_196 = arith.constant 2048 : i32
    %eq3A_197 = arith.constant 0 : i32
    %eq3A_198 = arith.cmpi eq, %jit3A_196, %eq3A_197 : i32
    %jit3A_199 = arith.constant 1 : i32
    %select_n3A_200 = arith.select %eq3A_198, %jit3A_199, %jit3A_196 : i32
    %rem3A = vector.broadcast %select_n3A_200 : i32 to vector<64x64xi32>
    %rem3A_201 = arith.remsi %add3A_195, %rem3A : vector<64x64xi32>
    %ne3A = arith.constant 0 : i32
    %ne3A_202 = vector.broadcast %ne3A : i32 to vector<64x64xi32>
    %ne3A_203 = arith.cmpi ne, %rem3A_201, %ne3A_202 : vector<64x64xi32>
    %lt3A_204 = arith.constant 0 : i32
    %lt3A_205 = vector.broadcast %lt3A_204 : i32 to vector<64x64xi32>
    %lt3A_206 = arith.cmpi slt, %rem3A_201, %lt3A_205 : vector<64x64xi32>
    %lt3A_207 = arith.constant 0 : i32
    %lt3A_208 = arith.cmpi slt, %select_n3A_200, %lt3A_207 : i32
    %ne3A_209 = vector.broadcast %lt3A_208 : i1 to vector<64x64xi1>
    %ne3A_210 = vector.broadcast %ne3A_209 : vector<64x64xi1> to vector<64x64xi1>
    %ne3A_211 = arith.xori %lt3A_206, %ne3A_210 : vector<64x64xi1>
    %and3A = arith.andi %ne3A_211, %ne3A_203 : vector<64x64xi1>
    %add3A_212 = vector.broadcast %select_n3A_200 : i32 to vector<64x64xi32>
    %add3A_213 = arith.addi %rem3A_201, %add3A_212 : vector<64x64xi32>
    %select_n3A_214 = arith.select %and3A, %add3A_213, %rem3A_201 : vector<64x64xi1>, vector<64x64xi32>
    %gt3A_215 = arith.constant 5.000000e-01 : f32
    %gt3A_216 = vector.broadcast %gt3A_215 : f32 to vector<64x64xf32>
    %gt3A_217 = arith.cmpf ogt, %dot_general3A_189, %gt3A_216 : vector<64x64xf32>
    %sub3A_218 = arith.constant 1.000000e+00 : f32
    %sub3A_219 = vector.broadcast %sub3A_218 : f32 to vector<64x64xf32>
    %sub3A_220 = arith.subf %dot_general3A_189, %sub3A_219 : vector<64x64xf32>
    %convert_element_type3A_221 = arith.sitofp %select_n3A_214 : vector<64x64xi32> to vector<64x64xf32>
    %select_n3A_222 = arith.select %gt3A_217, %sub3A_220, %convert_element_type3A_221 : vector<64x64xi1>, vector<64x64xf32>
    %convert_element_type3A_223 = arith.fptosi %select_n3A_222 : vector<64x64xf32> to vector<64x64xi32>
    %swap3A_224 = arith.constant 0 : index
    %swap3A_225 = arith.constant 0 : index
    %swap3A_226 = vector.load %arg4[%swap3A_224, %swap3A_225] : memref<64x64xi32, #tpu.memory_space<vmem>>, vector<64x64xi32>
    tpu.vector_store %arg4[%swap3A_224, %swap3A_225], %convert_element_type3A_223 {strides = array<i32>} : memref<64x64xi32, #tpu.memory_space<vmem>>, vector<64x64xi32>,
    %mul3A_227 = arith.mulf %broadcast_in_dim3A_13, %broadcast_in_dim3A_154 : vector<2048x1xf32>
    %mul3A_228 = vector.broadcast %mul3A_227 : vector<2048x1xf32> to vector<2048x768xf32>
    %mul3A_229 = arith.mulf %get3A_1, %mul3A_228 : vector<2048x768xf32>
    %broadcast_in_dim3A_230 = arith.constant 0.000000e+00 : f32
    %broadcast_in_dim3A_231 = vector.broadcast %broadcast_in_dim3A_230 : f32 to vector<8x768xf32>
    %concatenate3A_232 = tpu.concatenate %mul3A_229, %broadcast_in_dim3A_231 in 0 : vector<2048x768xf32>, vector<8x768xf32> -> vector<2056x768xf32>
    %swap3A_233 = arith.constant 0 : index
    %swap3A_234 = arith.constant 0 : index
    %swap3A_235 = vector.load %arg2[%swap3A_233, %swap3A_234] : memref<2056x768xf32, #tpu.memory_space<vmem>>, vector<2056x768xf32>
    tpu.vector_store %arg2[%swap3A_233, %swap3A_234], %concatenate3A_232 {strides = array<i32>} : memref<2056x768xf32, #tpu.memory_space<vmem>>, vector<2056x768xf32>,
    return
  }
}

module attributes {stable_mosaic.version = 14 : i64} {
  func.func @_mlp_body(%arg0: i32, %arg1: memref<128x768xf32, #tpu.memory_space<vmem>>, %arg2: memref<2x768x768xf32, #tpu.memory_space<vmem>>, %arg3: memref<2x768x768xf32, #tpu.memory_space<vmem>>, %arg4: memref<128x768xf32, #tpu.memory_space<vmem>>) attributes {dimension_semantics = [#tpu.dimension_semantics<arbitrary>], iteration_bounds = array<i64: 34>, scalar_prefetch = 0 : i64, scratch_operands = 0 : i64, tpu.core_type = #tpu.core_type<tc>, window_params = [{transform_indices = @transform_0, window_bounds = array<i64: 128, 768>}, {transform_indices = @transform_1, window_bounds = array<i64: 2, 768, 768>}, {transform_indices = @transform_2, window_bounds = array<i64: 2, 768, 768>}, {transform_indices = @transform_3, window_bounds = array<i64: 128, 768>}]} {
    %lt3A = arith.constant 32 : i32
    %lt3A_0 = arith.cmpi slt, %arg0, %lt3A : i32
    %convert_element_type3A = arith.extui %lt3A_0 : i1 to i32
    %cond3A = arith.constant 0 : i32
    %cond3A_1 = arith.cmpi ne, %convert_element_type3A, %cond3A : i32
    scf.if %cond3A_1 {
      %get3A = arith.constant 0 : index
      %get3A_6 = arith.constant 0 : index
      %get3A_7 = vector.load %arg1[%get3A, %get3A_6] : memref<128x768xf32, #tpu.memory_space<vmem>>, vector<128x768xf32>
      %slice3A = vector.extract_strided_slice %get3A_7 {offsets = [0, 0], sizes = [64, 768], strides = [1, 1]} : vector<128x768xf32> to vector<64x768xf32>
      %get3A_8 = arith.constant 0 : index
      %get3A_9 = arith.constant 0 : index
      %get3A_10 = arith.constant 0 : index
      %get3A_11 = vector.load %arg2[%get3A_8, %get3A_9, %get3A_10] : memref<2x768x768xf32, #tpu.memory_space<vmem>>, vector<1x768x768xf32>
      %get3A_12 = vector.shape_cast %get3A_11 : vector<1x768x768xf32> to vector<768x768xf32>
      %dot_general3A = arith.constant dense<0.000000e+00> : vector<64x768xf32>
      %dot_general3A_13 = tpu.matmul %slice3A, %get3A_12, %dot_general3A {dimension_numbers = #tpu.dot_dimension_numbers<[1], [0], [0], [1], [0, 0, 1, 1], [], []>, transpose_lhs_hint = false} : vector<64x768xf32>, vector<768x768xf32>, vector<64x768xf32> -> vector<64x768xf32>
      %max3A = arith.constant 0.000000e+00 : f32
      %max3A_14 = vector.broadcast %max3A : f32 to vector<64x768xf32>
      %max3A_15 = arith.maximumf %dot_general3A_13, %max3A_14 : vector<64x768xf32>
      %get3A_16 = arith.constant 0 : index
      %get3A_17 = arith.constant 0 : index
      %get3A_18 = arith.constant 0 : index
      %get3A_19 = vector.load %arg3[%get3A_16, %get3A_17, %get3A_18] : memref<2x768x768xf32, #tpu.memory_space<vmem>>, vector<1x768x768xf32>
      %get3A_20 = vector.shape_cast %get3A_19 : vector<1x768x768xf32> to vector<768x768xf32>
      %dot_general3A_21 = arith.constant dense<0.000000e+00> : vector<64x768xf32>
      %dot_general3A_22 = tpu.matmul %max3A_15, %get3A_20, %dot_general3A_21 {dimension_numbers = #tpu.dot_dimension_numbers<[1], [0], [0], [1], [0, 0, 1, 1], [], []>, transpose_lhs_hint = false} : vector<64x768xf32>, vector<768x768xf32>, vector<64x768xf32> -> vector<64x768xf32>
      %swap3A = arith.constant 0 : index
      %swap3A_23 = arith.constant 0 : index
      %swap3A_24 = vector.load %arg4[%swap3A, %swap3A_23] : memref<128x768xf32, #tpu.memory_space<vmem>>, vector<64x768xf32>
      tpu.vector_store %arg4[%swap3A, %swap3A_23], %dot_general3A_22 {strides = array<i32>} : memref<128x768xf32, #tpu.memory_space<vmem>>, vector<64x768xf32>,
      %slice3A_25 = vector.extract_strided_slice %get3A_7 {offsets = [64, 0], sizes = [64, 768], strides = [1, 1]} : vector<128x768xf32> to vector<64x768xf32>
      %get3A_26 = arith.constant 1 : index
      %get3A_27 = arith.constant 0 : index
      %get3A_28 = arith.constant 0 : index
      %get3A_29 = vector.load %arg2[%get3A_26, %get3A_27, %get3A_28] : memref<2x768x768xf32, #tpu.memory_space<vmem>>, vector<1x768x768xf32>
      %get3A_30 = vector.shape_cast %get3A_29 : vector<1x768x768xf32> to vector<768x768xf32>
      %dot_general3A_31 = arith.constant dense<0.000000e+00> : vector<64x768xf32>
      %dot_general3A_32 = tpu.matmul %slice3A_25, %get3A_30, %dot_general3A_31 {dimension_numbers = #tpu.dot_dimension_numbers<[1], [0], [0], [1], [0, 0, 1, 1], [], []>, transpose_lhs_hint = false} : vector<64x768xf32>, vector<768x768xf32>, vector<64x768xf32> -> vector<64x768xf32>
      %max3A_33 = arith.constant 0.000000e+00 : f32
      %max3A_34 = vector.broadcast %max3A_33 : f32 to vector<64x768xf32>
      %max3A_35 = arith.maximumf %dot_general3A_32, %max3A_34 : vector<64x768xf32>
      %get3A_36 = arith.constant 1 : index
      %get3A_37 = arith.constant 0 : index
      %get3A_38 = arith.constant 0 : index
      %get3A_39 = vector.load %arg3[%get3A_36, %get3A_37, %get3A_38] : memref<2x768x768xf32, #tpu.memory_space<vmem>>, vector<1x768x768xf32>
      %get3A_40 = vector.shape_cast %get3A_39 : vector<1x768x768xf32> to vector<768x768xf32>
      %dot_general3A_41 = arith.constant dense<0.000000e+00> : vector<64x768xf32>
      %dot_general3A_42 = tpu.matmul %max3A_35, %get3A_40, %dot_general3A_41 {dimension_numbers = #tpu.dot_dimension_numbers<[1], [0], [0], [1], [0, 0, 1, 1], [], []>, transpose_lhs_hint = false} : vector<64x768xf32>, vector<768x768xf32>, vector<64x768xf32> -> vector<64x768xf32>
      %swap3A_43 = arith.constant 64 : index
      %swap3A_44 = arith.constant 0 : index
      %swap3A_45 = vector.load %arg4[%swap3A_43, %swap3A_44] : memref<128x768xf32, #tpu.memory_space<vmem>>, vector<64x768xf32>
      tpu.vector_store %arg4[%swap3A_43, %swap3A_44], %dot_general3A_42 {strides = array<i32>} : memref<128x768xf32, #tpu.memory_space<vmem>>, vector<64x768xf32>,
    } else {
    }
    %ge3A = arith.constant 32 : i32
    %ge3A_2 = arith.cmpi sge, %arg0, %ge3A : i32
    %convert_element_type3A_3 = arith.extui %ge3A_2 : i1 to i32
    %cond3A_4 = arith.constant 0 : i32
    %cond3A_5 = arith.cmpi ne, %convert_element_type3A_3, %cond3A_4 : i32
    scf.if %cond3A_5 {
      %broadcast_in_dim3A = arith.constant 0.000000e+00 : f32
      %broadcast_in_dim3A_6 = vector.broadcast %broadcast_in_dim3A : f32 to vector<128x768xf32>
      %swap3A = arith.constant 0 : index
      %swap3A_7 = arith.constant 0 : index
      %swap3A_8 = vector.load %arg4[%swap3A, %swap3A_7] : memref<128x768xf32, #tpu.memory_space<vmem>>, vector<128x768xf32>
      tpu.vector_store %arg4[%swap3A, %swap3A_7], %broadcast_in_dim3A_6 {strides = array<i32>} : memref<128x768xf32, #tpu.memory_space<vmem>>, vector<128x768xf32>,
    } else {
    }
    return
  }
  func.func @transform_0(%arg0: i32) -> (i32, i32) {
    %c0_i32 = arith.constant 0 : i32
    %c0_i32_0 = arith.constant 0 : i32
    return %arg0, %c0_i32 : i32, i32
  }
  func.func @transform_1(%arg0: i32) -> (i32, i32, i32) {
    %min3A = arith.constant 31 : i32
    %min3A_0 = arith.minsi %arg0, %min3A : i32
    %c0_i32 = arith.constant 0 : i32
    %c0_i32_1 = arith.constant 0 : i32
    %c0_i32_2 = arith.constant 0 : i32
    return %min3A_0, %c0_i32, %c0_i32_1 : i32, i32, i32
  }
  func.func @transform_2(%arg0: i32) -> (i32, i32, i32) {
    %min3A = arith.constant 31 : i32
    %min3A_0 = arith.minsi %arg0, %min3A : i32
    %c0_i32 = arith.constant 0 : i32
    %c0_i32_1 = arith.constant 0 : i32
    %c0_i32_2 = arith.constant 0 : i32
    return %min3A_0, %c0_i32, %c0_i32_1 : i32, i32, i32
  }
  func.func @transform_3(%arg0: i32) -> (i32, i32) {
    %c0_i32 = arith.constant 0 : i32
    %c0_i32_0 = arith.constant 0 : i32
    return %arg0, %c0_i32 : i32, i32
  }
}

</mosaic_0001>

<sc_bundles>
// kernel: kernel.6.cloned.1.call-start
scs
__scs_entry_jumppad:
0x0: {  	(pc) =	sbr.rel $0x88, $3  }
0x1: {  	(tag) =	ssettag $0x0;
	lr =	simm.s32 $0x1  }
0x2: {  	[smem:$0x3F9D] =	sst lr;
	_ =	strace $0xD0000000  }
0x3: {  	_ = 	snop  }
0x4: {  	_ = 	snop  }
0x5: {  	_ = 	snop  }
0x6: {  	_ = 	snop  }
0x7: {  	_ = 	snop  }
__scs_overlays_trampoline_lowered:
0x8: {  	[smem:$0x3FAC] =	sst s0  }
0x9: {  	[smem:$0x3FAD] =	sst s1  }
0xa: {  	[smem:$0x3FAE] =	sst s2  }
0xb: {  	[smem:$0x3FAF] =	sst s3  }
0xc: {  	[smem:$0x3FB0] =	sst s4  }
0xd: {  	[smem:$0x3FB1] =	sst s5  }
0xe: {  	[smem:$0x3FB2] =	sst s6  }
0xf: {  	[smem:$0x3FB3] =	sst s7  }
0x10: {  	[smem:$0x3FB4] =	sst s8  }
0x11: {  	[smem:$0x3FB5] =	sst s9;
	s0 =	simm.s32 @!p0 $0x0  }
0x12: {  	s1 =	sld [smem:$0x3F9B];
	s0 =	simm.s32 @p0 $0x1  }
0x13: {  	[smem:$0x3FB6] =	sst s0;
	s0 =	simm.s32 @!p1 $0x0  }
0x14: {  	s2 =	sld [smem:$0x3F9A];
	s0 =	simm.s32 @p1 $0x1  }
0x15: {  	[smem:$0x3FB7] =	sst s0;
	s0 =	simm.s32 @!p2 $0x0  }
0x16: {  	s3 =	sld [smem:$0x3FDB];
	s0 =	simm.s32 @p2 $0x1  }
0x17: {  	s4 =	simm.s32 $0x1BF5;
	[smem:$0x3FB9] =	sst s0  }
0x18: {  	s0 =	sld [smem:$0x3F9C];
	_ =	swait.ge [sflag:s4], $0x0  }
0x19: {  	s7 =	sld [smem:$0x3F9D]  }
0x1a: {  	s8 =	sadd.s32 $0xFFFFE003, lr  }
0x1b: {  	s9 =	sadd.s32 $0xFFFFFEF7, lr;
	s5 =	simm.s32 $0xFFFFFFFF;
	p2 =	slt.u32 s8, $0xFFFFF086  }
0x1c: {  	p1 =	slt.u32 s9, $0xF7A;
	s5 =	simm.s32 @!p2 $0x0  }
0x1d: {  	s5 =	simm.s32 @p1 $0x1;
	p0 =	seq.s32 s7, s2  }
0x1e: {  	s7 =	smul.u32 @!p0 $0xF7A, s2;
	p2 =	seq.s32 @!p0 s5, $0x0  }
0x1f: {  	s9 =	smul.u32 $0xF7A, s1;
	s8 =	simm.s32 @!p0 $0x1BF5;
	p2 =	por !p2, p0  }
0x20: {  	[sflag:s8] =	ssyncset.s32 @!p0 $0xFFFFF086;
	s6 =	sadd.s32 @!p0 s3, s7;
	s7 =	simm.s32 @!p0 $0x108  }
0x21: {  	s3 =	sadd.s32 s3, s9;
	s6 =	sadd.s32 @!p0 $0x88, s6;
	s7 =	simm.s32 @p2 $0x1082  }
0x22: {  	[simem:s7], [sflag:s8] =	dma.local @!p0 [hbm:s6], $0xF7A  }
0x23: {  	s9 =	sor.u32 $0xD0000000, s2;
	s6 =	simm.s32 $0x108;
	_ =	swait.ge @!p0 [sflag:s8], $0x0  }
0x24: {  	s3 =	sadd.s32 $0x88, s3;
	s6 =	simm.s32 @!p1 $0x1082;
	[sflag:s4] =	ssyncset.s32 $0xFFFFF086  }
0x25: {  	[simem:s6], [sflag:s4] =	dma.local [hbm:s3], $0xF7A  }
0x26: {  	[smem:$0x3F9D] =	sst s1;
	(tag) =	ssettag s2;
	_ =	strace s9  }
0x27: {  	s1 =	sld [smem:$0x3FAD]  }
0x28: {  	s2 =	sld [smem:$0x3FAE]  }
0x29: {  	s4 =	sld [smem:$0x3FB0]  }
0x2a: {  	p0 =	seq.s32 s5, $0x0;
	s5 =	sld [smem:$0x3FB1]  }
0x2b: {  	s6 =	sld [smem:$0x3FB2]  }
0x2c: {  	s7 =	sld [smem:$0x3FB3]  }
0x2d: {  	s3 =	simm.s32 $0x108;
	s8 =	sld [smem:$0x3FB4]  }
0x2e: {  	s3 =	simm.s32 @!p0 $0x1082;
	s9 =	sld [smem:$0x3FB5]  }
0x2f: {  	lr =	sadd.s32 s0, s3;
	s0 =	sld [smem:$0x3FAC]  }
0x30: {  	s3 =	sld [smem:$0x3FAF]  }
0x31: {  	[smem:$0x3FB8] =	sst s10  }
0x32: {  	s10 =	sld [smem:$0x3FB6];
	_ =	sdelay $0x3  }
0x33: {  	p0 =	seq.s32 s10, $0x1;
	s10 =	sld [smem:$0x3FB8];
	_ =	sdelay $0x3  }
0x34: {  	[smem:$0x3FB8] =	sst s10  }
0x35: {  	s10 =	sld [smem:$0x3FB7];
	_ =	sdelay $0x3  }
0x36: {  	p1 =	seq.s32 s10, $0x1;
	s10 =	sld [smem:$0x3FB8];
	_ =	sdelay $0x3  }
0x37: {  	[smem:$0x3FB8] =	sst s10  }
0x38: {  	s10 =	sld [smem:$0x3FB9]  }
0x39: {  	_ = 	snop;
	(pc) =	sbr.ind lr, $3  }
0x3a: {  	_ = 	snop  }
0x3b: {  	_ = 	snop  }
0x3c: {  	p2 =	seq.s32 s10, $0x1;
	s10 =	sld [smem:$0x3FB8]  }
0x3d: {  	_ =	shalt  }
0x3e: {  	_ =	shalt  }
0x3f: {  	_ =	shalt  }
0x40: {  	_ =	shalt  }
0x41: {  	_ =	shalt  }
0x42: {  	_ =	shalt  }
0x43: {  	_ =	shalt  }
0x44: {  	_ =	shalt  }
0x45: {  	_ =	shalt  }
0x46: {  	_ =	shalt  }
0x47: {  	_ =	shalt  }
0x48: {  	_ =	shalt  }
0x49: {  	_ =	shalt  }
0x4a: {  	_ =	shalt  }
0x4b: {  	_ =	shalt  }
0x4c: {  	_ =	shalt  }
0x4d: {  	_ =	shalt  }
0x4e: {  	_ =	shalt  }
0x4f: {  	_ =	shalt  }
0x50: {  	_ =	shalt  }
0x51: {  	_ =	shalt  }
0x52: {  	_ =	shalt  }
0x53: {  	_ =	shalt  }
0x54: {  	_ =	shalt  }
0x55: {  	_ =	shalt  }
0x56: {  	_ =	shalt  }
0x57: {  	_ =	shalt  }
0x58: {  	_ =	shalt  }
0x59: {  	_ =	shalt  }
0x5a: {  	_ =	shalt  }
0x5b: {  	_ =	shalt  }
0x5c: {  	_ =	shalt  }
0x5d: {  	_ =	shalt  }
0x5e: {  	_ =	shalt  }
0x5f: {  	_ =	shalt  }
0x60: {  	_ =	shalt  }
0x61: {  	_ =	shalt  }
0x62: {  	_ =	shalt  }
0x63: {  	_ =	shalt  }
0x64: {  	_ =	shalt  }
0x65: {  	_ =	shalt  }
0x66: {  	_ =	shalt  }
0x67: {  	_ =	shalt  }
0x68: {  	_ =	shalt  }
0x69: {  	_ =	shalt  }
0x6a: {  	_ =	shalt  }
0x6b: {  	_ =	shalt  }
0x6c: {  	_ =	shalt  }
0x6d: {  	_ =	shalt  }
0x6e: {  	_ =	shalt  }
0x6f: {  	_ =	shalt  }
0x70: {  	_ =	shalt  }
0x71: {  	_ =	shalt  }
0x72: {  	_ =	shalt  }
0x73: {  	_ =	shalt  }
0x74: {  	_ =	shalt  }
0x75: {  	_ =	shalt  }
0x76: {  	_ =	shalt  }
0x77: {  	_ =	shalt  }
0x78: {  	_ =	shalt  }
0x79: {  	_ =	shalt  }
0x7a: {  	_ =	shalt  }
0x7b: {  	_ =	shalt  }
0x7c: {  	_ =	shalt  }
0x7d: {  	_ =	shalt  }
0x7e: {  	_ =	shalt  }
0x7f: {  	_ =	shalt  }
0x80: {  	_ =	shalt  }
0x81: {  	_ =	shalt  }
0x82: {  	_ =	shalt  }
0x83: {  	_ =	shalt  }
0x84: {  	_ =	shalt  }
0x85: {  	_ =	shalt  }
0x86: {  	_ =	shalt  }
0x87: {  	_ =	shalt  }
.Lfunc_end0:
.L_simem_size_0:
called_computation_lowered:
.L_overlay_start_0:
0x88: {  	s2 =	sld [smem:$0x3FD9]  }
0x89: {  	s3 =	sld [smem:$0x3FFE];
	_ =	sdelay $0x1  }
0x8a: {  	s1 =	srdreg.scid  }
0x8b: {  	s0 =	sand.u32 $0x1, s1  }
0x8c: {  	s17 =	sshll.u32 s0, $0xA;
	s2 =	sadd.s32 s3, s2  }
0x8d: {  	s2 =	sadd.s32 s2, s17  }
0x8e: {  	[smem:$0x3FC4] =	sst s2  }
0x8f: {  	_ = 	snop  }
0x90: {  	s2 =	sld [smem:$0x3FD0];
	(tm) =	ssettm $0x1  }
0x91: {  	s18 =	sld [smem:$0x3FFB];
	_ =	sdelay $0x3  }
0x92: {  	_ =	strace s18  }
0x93: {  	s3 =	sld [smem:$0x3FFC];
	_ =	sdelay $0x3  }
0x94: {  	_ =	strace s3  }
0x95: {  	s3 =	sld [smem:$0x3FFD];
	_ =	sdelay $0x3  }
0x96: {  	_ =	strace s3  }
0x97: {  	_ =	strace $0x8FFFFFFF  }
0x98: {  	s19 =	sld [smem:$0x3FDB];
	_ =	sdelay $0x1  }
0x99: {  	s4 =	simm.s32 $_scs_section_size  }
0x9a: {  	s5 =	simm.s32 $_size__tile_overlayer_lowered;
	s6 =	simm.s32 $_tile_overlayer_lowered  }
0x9b: {  	s22 =	simm.s32 $0x1BFF;
	s21 =	sshll.u32 s6, $0x1;
	s3 =	sadd.s32 s4, s19  }
0x9c: {  	s7 =	simm.s32 $0x0;
	s20 =	sshll.u32 s5, $0x1;
	s5 =	sadd.s32 s21, s3  }
0x9d: {  	[timem:s7], [sflag:s22] =	dma.local [hbm:s5], s20  }
0x9e: {  	_ =	swait.ge [sflag:s22], s20  }
0x9f: {  	s4 =	ssub.s32 $0x0, s20;
	[sflag:s22] =	ssyncset.done $0x0  }
0xa0: {  	[sflag:s22] =	ssyncadd.s32 s4;
	_ =	sdelay $0x1  }
0xa1: {  	s23 =	simm.s32 $0x1B8B  }
0xa2: {  	_ =	swait.ge [sflag:s23], $0x1  }
0xa3: {  	[sflag:s23] =	ssyncset.done $0x0  }
0xa4: {  	s25 =	simm.s32 $0x1B8E;
	s24 =	sld [smem:$0x3FFE];
	[sflag:s23] =	ssyncadd.s32 $0xFFFFFFFF  }
0xa5: {  	s26 =	simm.s32 $execute0_lowered;
	[smem:$0x3FD2] =	sst s25  }
0xa6: {  	s5 =	sshll.u32 s26, $0x1;
	_ =	strace $0x80000046;
	[dreg:$0x1] =	wrdreg $0xFFFFFFFF  }
0xa7: {  	s28 =	simm.s32 $_size_execute0_lowered;
	s3 =	sadd.s32 s3, s5;
	[dreg:$0x0] =	wrdreg $0x0  }
0xa8: {  	s5 =	sshll.u32 s28, $0x1;
	[dreg:$0x2] =	wrdreg s3  }
0xa9: {  	[dreg:$0x3] =	wrdreg s5  }
0xaa: {  	[dreg:$0x4] =	wrdreg $0xC0  }
0xab: {  	_ =	task [dreg:s7], $0x5FFFF  }
0xac: {  	[dreg:$0x1] =	wrdreg $0xFFFFFFFF  }
0xad: {  	[dreg:$0x0] =	wrdreg $0x60  }
0xae: {  	[dreg:$0x2] =	wrdreg s24  }
0xaf: {  	[dreg:$0x3] =	wrdreg s2  }
0xb0: {  	[dreg:$0x4] =	wrdreg $0x9  }
0xb1: {  	_ =	task.clear_ibuf [dreg:s7], $0x5FFFF;
	_ =	strace $0x90000046  }
0xb2: {  	s29 =	simm.s32 $0x9;
	_ =	strace $0x80000048  }
0xb3: {  	_ =	swait.ge [sflag:s29], $0x1  }
0xb4: {  	[sflag:s29] =	ssyncadd.s32 $0xFFFFFFFF  }
0xb5: {  	_ =	strace $0x90000048  }
0xb6: {  	_ =	sfence  }
0xb7: {  	s30 =	sld [smem:$0x0];
	_ =	sdelay $0x2  }
0xb8: {  	s31 =	sshll.u32 s1, $0xD;
	s1 =	sshrl.u32 s1, $0x2  }
0xb9: {  	s3 =	sand.u32 $0x4000, s31;
	s1 =	sadd.s32 s1, s30  }
0xba: {  	s0 =	sor.u32 s3, s0;
	s1 =	sshll.u32 s1, $0x11  }
0xbb: {  	s0 =	sor.u32 s1, s0  }
0xbc: {  	s0 =	sadd.s32 $0x8F2B, s0  }
0xbd: {  	[sflag:s0] =	ssyncadd.remote.s32 $0x1  }
0xbe: {  	_ =	sfence.sel $0xFFFF  }
0xbf: {  	[dreg:$0x0] =	wrdreg $0xFFFFFFFF;
	(pc) =	sbr.abs _section_cstart, $3  }
0xc0: {  	[dreg:$0x1] =	wrdreg $0xFFFFFFFF  }
0xc1: {  	_ =	task.clear_ibuf [dreg:s7], $0x2FFFF;
	_ =	strace $0x9FFFFFFF  }
0xc2: {  	(tm) =	ssettm $0x7FFFFFFF  }
0xc3: {  	_ =	shalt  }
tec
execute0_lowered:
.L_overlay_start_1:
0x0: {  	(tag) =	ssettag $0x1  }
0x1: {  	s1 =	srdreg.scid;
	s0 =	stileid.u32  }
0x2: {  	s5 =	rddreg [dreg:$0x0];
	s1 =	sand.u32 $0x1, s1;
	s2 =	sshll.u32 s0, $0x1  }
0x3: {  	s3 =	rddreg [dreg:$0x1];
	s4 =	sor.u32 s1, s2;
	s2 =	simm.s32 $0x0  }
0x4: {  	s25 =	simm.s32 $0x880;
	[smem:$0x7FF] =	sst s2  }
0x5: {  	s26 =	simm.s32 $0x1080;
	_ =	strace $0x80000047;
	[dreg:$0x5] =	wrdreg s25  }
0x6: {  	s0 =	simm.s32 $0x1880;
	[dreg:$0x6] =	wrdreg s26  }
0x7: {  	s7 =	simm.s32 $0x3080;
	[dreg:$0x7] =	wrdreg s0  }
0x8: {  	s8 =	simm.s32 $0x3880;
	[dreg:$0xa] =	wrdreg s7  }
0x9: {  	s9 =	simm.s32 $0x4080;
	[dreg:$0xb] =	wrdreg s8  }
0xa: {  	s10 =	simm.s32 $0x4880;
	[dreg:$0xc] =	wrdreg s9  }
0xb: {  	s11 =	simm.s32 $0x5080;
	[dreg:$0xd] =	wrdreg s10  }
0xc: {  	s12 =	simm.s32 $0x5880;
	[dreg:$0xe] =	wrdreg s11  }
0xd: {  	s13 =	simm.s32 $0x6080;
	[dreg:$0xf] =	wrdreg s12  }
0xe: {  	s14 =	simm.s32 $0x6880;
	s15 =	simm.s32 $0x7080;
	[dreg:$0x10] =	wrdreg s13  }
0xf: {  	s16 =	simm.s32 $0x7880;
	s17 =	simm.s32 $0x8080;
	[dreg:$0x11] =	wrdreg s14  }
0x10: {  	s18 =	simm.s32 $0x8880;
	s19 =	simm.s32 $0x9080;
	[dreg:$0x12] =	wrdreg s15  }
0x11: {  	s21 =	simm.s32 $0x9880;
	s22 =	simm.s32 $0xA080;
	[dreg:$0x13] =	wrdreg s16  }
0x12: {  	s23 =	simm.s32 $0xA880;
	s28 =	simm.s32 $0x16080;
	[dreg:$0x14] =	wrdreg s17  }
0x13: {  	s29 =	simm.s32 $0x16880;
	s30 =	simm.s32 $0x17080;
	[dreg:$0x15] =	wrdreg s18  }
0x14: {  	s31 =	simm.s32 $0x17880;
	s1 =	ssub.s32 $0x2, s1;
	[dreg:$0x16] =	wrdreg s19  }
0x15: {  	s6 =	smul.u32 $0x3000, s4;
	s4 =	sshll.u32 s4, $0x4;
	[dreg:$0x17] =	wrdreg s21  }
0x16: {  	s20 =	sshrl.u32 s1, $0x1;
	s3 =	sadd.s32 s3, s4;
	[dreg:$0x18] =	wrdreg s22  }
0x17: {  	s4 =	simm.s32 $0x2080;
	s1 =	ssub.s32 s1, s20;
	[dreg:$0x19] =	wrdreg s23  }
0x18: {  	s7 =	simm.s32 $0xB080;
	s25 =	simm.s32 $0xC080;
	s8 =	simm.s32 $0x80  }
0x19: {  	s26 =	simm.s32 $0xC880;
	s10 =	simm.s32 $0xD880;
	s11 =	simm.s32 $0xE080  }
0x1a: {  	s12 =	simm.s32 $0xE880;
	s13 =	simm.s32 $0xF080;
	s14 =	simm.s32 $0xF880  }
0x1b: {  	s15 =	simm.s32 $0x10080;
	s16 =	simm.s32 $0x10880;
	s17 =	simm.s32 $0x11080  }
0x1c: {  	s18 =	simm.s32 $0x11880;
	s19 =	simm.s32 $0x12080;
	s20 =	simm.s32 $0x12880  }
0x1d: {  	s21 =	simm.s32 $0x13080;
	s22 =	simm.s32 $0x13880;
	[dreg:$0x3] =	wrdreg s3  }
0x1e: {  	s23 =	simm.s32 $0x14080;
	s6 =	sadd.s32 s6, s5;
	[dreg:$0x8] =	wrdreg s4  }
0x1f: {  	s3 =	sadd.s32 $0xC00, s5;
	s4 =	sadd.s32 $0xD00, s5;
	[dreg:$0x1a] =	wrdreg s7  }
0x20: {  	s5 =	sadd.s32 $0xE00, s5;
	s7 =	simm.s32 $0x2;
	[dreg:$0x1c] =	wrdreg s25  }
0x21: {  	[dreg:$0x1d] =	wrdreg s26;
	s25 =	simm.s32 $0x15080;
	s24 =	sadd.s32 $0x31000, s6  }
0x22: {  	v2 =	vlaneseq.u32;
	s26 =	simm.s32 $0x15880;
	s6 =	simm.s32 $0x2880;
	[dreg:$0x4] =	wrdreg s24  }
0x23: {  	vm0 =	vmmov $0xffff;
	v1 =	vshrl.u32 v2, $0x3;
	[dreg:$0x9] =	wrdreg s6;
	s6 =	smax.u32 s1, $0x1;
	s24 =	simm.s32 $0xB880  }
0x24: {  	v0 =	vand.u32 $0x7, v2;
	v2 =	vor.u32 $0x8, v2;
	v1 =	vmul.u32 $0x8, v1;
	s1 =	simm.s32 $0x1;
	[dreg:$0x1b] =	wrdreg s24;
	s24 =	simm.s32 $0x14880  }
.LBB2_1:
0x25: {  	s0 =	rddreg [dreg:$0x3]  }
0x26: {  	[tilespmem:s2], [sflag:$0x2] =	stream.linear.gather [hbm4b:s0+s2], $0x80, $0x38;
	[tilespmem:$0x18080] =	vst v63  }
0x27: {  	_ =	swait.ge [sflag:s7], $0x80  }
0x28: {  	[sflag:s7] =	ssyncset.done $0x0  }
0x29: {  	[sflag:s7] =	ssyncadd.s32 $0xFFFFFF80  }
0x2a: {  	v3 =	vld [tilespmem:$0x0];
	_ =	sdelay $0x4  }
0x2b: {  	v4 =	vshrl.u32 v3, $0x3  }
0x2c: {  	v4 =	vmul.u32 $0x30, v4  }
0x2d: {  	v3 =	vand.u32 $0x7, v3  }
0x2e: {  	v3 =	vor.u32 v3, v4  }
0x2f: {  	v4 =	vperm.xlane v3, v0;
	_ =	sdelay $0x1  }
0x30: {  	v4 =	vadd.s32 v1, v4;
	_ =	sdelay $0x3  }
0x31: {  	v3 =	vperm.xlane v3, v2  }
0x32: {  	[tilespmem:s8], [sflag:$0x1] =	stream.indirect_vreg.gather [hbm4b:s3+s2], $0x80, v4, vm0, $0xb8;
	[tilespmem:$0x18080] =	vst v63  }
0x33: {  	s0 =	rddreg [dreg:$0x5];
	v3 =	vadd.s32 v1, v3  }
0x34: {  	[tilespmem:s0], [sflag:$0x1] =	stream.indirect_vreg.gather [hbm4b:s4+s2], $0x80, v4, vm0, $0xb8;
	[tilespmem:$0x18080] =	vst v63  }
0x35: {  	s9 =	rddreg [dreg:$0x6]  }
0x36: {  	[tilespmem:s9], [sflag:$0x1] =	stream.indirect_vreg.gather [hbm4b:s5+s2], $0x80, v4, vm0, $0xb8;
	[tilespmem:$0x18080] =	vst v63  }
0x37: {  	s0 =	rddreg [dreg:$0x7]  }
0x38: {  	[tilespmem:s0], [sflag:$0x1] =	stream.indirect_vreg.gather [hbm4b:s3+s2], $0x80, v3, vm0, $0xb8;
	[tilespmem:$0x18080] =	vst v63  }
0x39: {  	s9 =	rddreg [dreg:$0x8]  }
0x3a: {  	[tilespmem:s9], [sflag:$0x1] =	stream.indirect_vreg.gather [hbm4b:s4+s2], $0x80, v3, vm0, $0xb8;
	[tilespmem:$0x18080] =	vst v63  }
0x3b: {  	s0 =	rddreg [dreg:$0x9]  }
0x3c: {  	[tilespmem:s0], [sflag:$0x1] =	stream.indirect_vreg.gather [hbm4b:s5+s2], $0x80, v3, vm0, $0xb8;
	[tilespmem:$0x18080] =	vst v63  }
0x3d: {  	v3 =	vld [tilespmem:$0x10];
	_ =	sdelay $0x4  }
0x3e: {  	v57 =	vshrl.u32 v3, $0x3  }
0x3f: {  	v4 =	vmul.u32 $0x30, v57  }
0x40: {  	v3 =	vand.u32 $0x7, v3  }
0x41: {  	v3 =	vor.u32 v3, v4  }
0x42: {  	v4 =	vperm.xlane v3, v0;
	_ =	sdelay $0x1  }
0x43: {  	v4 =	vadd.s32 v1, v4;
	_ =	sdelay $0x3  }
0x44: {  	s0 =	rddreg [dreg:$0xa];
	v3 =	vperm.xlane v3, v2  }
0x45: {  	[tilespmem:s0], [sflag:$0x1] =	stream.indirect_vreg.gather [hbm4b:s3+s2], $0x80, v4, vm0, $0xb8;
	[tilespmem:$0x18080] =	vst v63  }
0x46: {  	s9 =	rddreg [dreg:$0xb];
	v3 =	vadd.s32 v1, v3  }
0x47: {  	[tilespmem:s9], [sflag:$0x1] =	stream.indirect_vreg.gather [hbm4b:s4+s2], $0x80, v4, vm0, $0xb8;
	[tilespmem:$0x18080] =	vst v63  }
0x48: {  	s0 =	rddreg [dreg:$0xc]  }
0x49: {  	[tilespmem:s0], [sflag:$0x1] =	stream.indirect_vreg.gather [hbm4b:s5+s2], $0x80, v4, vm0, $0xb8;
	[tilespmem:$0x18080] =	vst v63  }
0x4a: {  	s9 =	rddreg [dreg:$0xd]  }
0x4b: {  	[tilespmem:s9], [sflag:$0x1] =	stream.indirect_vreg.gather [hbm4b:s3+s2], $0x80, v3, vm0, $0xb8;
	[tilespmem:$0x18080] =	vst v63  }
0x4c: {  	s0 =	rddreg [dreg:$0xe]  }
0x4d: {  	[tilespmem:s0], [sflag:$0x1] =	stream.indirect_vreg.gather [hbm4b:s4+s2], $0x80, v3, vm0, $0xb8;
	[tilespmem:$0x18080] =	vst v63  }
0x4e: {  	s9 =	rddreg [dreg:$0xf]  }
0x4f: {  	[tilespmem:s9], [sflag:$0x1] =	stream.indirect_vreg.gather [hbm4b:s5+s2], $0x80, v3, vm0, $0xb8;
	[tilespmem:$0x18080] =	vst v63  }
0x50: {  	v3 =	vld [tilespmem:$0x20];
	_ =	sdelay $0x4  }
0x51: {  	v58 =	vshrl.u32 v3, $0x3  }
0x52: {  	v4 =	vmul.u32 $0x30, v58  }
0x53: {  	v3 =	vand.u32 $0x7, v3  }
0x54: {  	v3 =	vor.u32 v3, v4  }
0x55: {  	v4 =	vperm.xlane v3, v0;
	_ =	sdelay $0x1  }
0x56: {  	v4 =	vadd.s32 v1, v4;
	_ =	sdelay $0x3  }
0x57: {  	s0 =	rddreg [dreg:$0x10];
	v3 =	vperm.xlane v3, v2  }
0x58: {  	[tilespmem:s0], [sflag:$0x1] =	stream.indirect_vreg.gather [hbm4b:s3+s2], $0x80, v4, vm0, $0xb8;
	[tilespmem:$0x18080] =	vst v63  }
0x59: {  	s9 =	rddreg [dreg:$0x11];
	v3 =	vadd.s32 v1, v3  }
0x5a: {  	[tilespmem:s9], [sflag:$0x1] =	stream.indirect_vreg.gather [hbm4b:s4+s2], $0x80, v4, vm0, $0xb8;
	[tilespmem:$0x18080] =	vst v63  }
0x5b: {  	s0 =	rddreg [dreg:$0x12]  }
0x5c: {  	[tilespmem:s0], [sflag:$0x1] =	stream.indirect_vreg.gather [hbm4b:s5+s2], $0x80, v4, vm0, $0xb8;
	[tilespmem:$0x18080] =	vst v63  }
0x5d: {  	s9 =	rddreg [dreg:$0x13]  }
0x5e: {  	[tilespmem:s9], [sflag:$0x1] =	stream.indirect_vreg.gather [hbm4b:s3+s2], $0x80, v3, vm0, $0xb8;
	[tilespmem:$0x18080] =	vst v63  }
0x5f: {  	s0 =	rddreg [dreg:$0x14]  }
0x60: {  	[tilespmem:s0], [sflag:$0x1] =	stream.indirect_vreg.gather [hbm4b:s4+s2], $0x80, v3, vm0, $0xb8;
	[tilespmem:$0x18080] =	vst v63  }
0x61: {  	s9 =	rddreg [dreg:$0x15]  }
0x62: {  	[tilespmem:s9], [sflag:$0x1] =	stream.indirect_vreg.gather [hbm4b:s5+s2], $0x80, v3, vm0, $0xb8;
	[tilespmem:$0x18080] =	vst v63  }
0x63: {  	v3 =	vld [tilespmem:$0x30];
	_ =	sdelay $0x4  }
0x64: {  	v59 =	vshrl.u32 v3, $0x3  }
0x65: {  	v4 =	vmul.u32 $0x30, v59  }
0x66: {  	v3 =	vand.u32 $0x7, v3  }
0x67: {  	v3 =	vor.u32 v3, v4  }
0x68: {  	v4 =	vperm.xlane v3, v0;
	_ =	sdelay $0x1  }
0x69: {  	v4 =	vadd.s32 v1, v4;
	_ =	sdelay $0x3  }
0x6a: {  	s0 =	rddreg [dreg:$0x16];
	v3 =	vperm.xlane v3, v2  }
0x6b: {  	[tilespmem:s0], [sflag:$0x1] =	stream.indirect_vreg.gather [hbm4b:s3+s2], $0x80, v4, vm0, $0xb8;
	[tilespmem:$0x18080] =	vst v63  }
0x6c: {  	s9 =	rddreg [dreg:$0x17];
	v3 =	vadd.s32 v1, v3  }
0x6d: {  	[tilespmem:s9], [sflag:$0x1] =	stream.indirect_vreg.gather [hbm4b:s4+s2], $0x80, v4, vm0, $0xb8;
	[tilespmem:$0x18080] =	vst v63  }
0x6e: {  	s0 =	rddreg [dreg:$0x18]  }
0x6f: {  	[tilespmem:s0], [sflag:$0x1] =	stream.indirect_vreg.gather [hbm4b:s5+s2], $0x80, v4, vm0, $0xb8;
	[tilespmem:$0x18080] =	vst v63  }
0x70: {  	s9 =	rddreg [dreg:$0x19]  }
0x71: {  	[tilespmem:s9], [sflag:$0x1] =	stream.indirect_vreg.gather [hbm4b:s3+s2], $0x80, v3, vm0, $0xb8;
	[tilespmem:$0x18080] =	vst v63  }
0x72: {  	s0 =	rddreg [dreg:$0x1a]  }
0x73: {  	[tilespmem:s0], [sflag:$0x1] =	stream.indirect_vreg.gather [hbm4b:s4+s2], $0x80, v3, vm0, $0xb8;
	[tilespmem:$0x18080] =	vst v63  }
0x74: {  	s9 =	rddreg [dreg:$0x1b]  }
0x75: {  	[tilespmem:s9], [sflag:$0x1] =	stream.indirect_vreg.gather [hbm4b:s5+s2], $0x80, v3, vm0, $0xb8;
	[tilespmem:$0x18080] =	vst v63  }
0x76: {  	v3 =	vld [tilespmem:$0x40];
	_ =	sdelay $0x4  }
0x77: {  	v60 =	vshrl.u32 v3, $0x3  }
0x78: {  	v4 =	vmul.u32 $0x30, v60  }
0x79: {  	v3 =	vand.u32 $0x7, v3  }
0x7a: {  	v3 =	vor.u32 v3, v4  }
0x7b: {  	v4 =	vperm.xlane v3, v0;
	_ =	sdelay $0x1  }
0x7c: {  	v4 =	vadd.s32 v1, v4;
	_ =	sdelay $0x3  }
0x7d: {  	s0 =	rddreg [dreg:$0x1c];
	v3 =	vperm.xlane v3, v2  }
0x7e: {  	[tilespmem:s0], [sflag:$0x1] =	stream.indirect_vreg.gather [hbm4b:s3+s2], $0x80, v4, vm0, $0xb8;
	[tilespmem:$0x18080] =	vst v63  }
0x7f: {  	s9 =	rddreg [dreg:$0x1d];
	v3 =	vadd.s32 v1, v3  }
0x80: {  	[tilespmem:s9], [sflag:$0x1] =	stream.indirect_vreg.gather [hbm4b:s4+s2], $0x80, v4, vm0, $0xb8;
	[tilespmem:$0x18080] =	vst v63  }
0x81: {  	s9 =	simm.s32 $0xD080  }
0x82: {  	[tilespmem:s9], [sflag:$0x1] =	stream.indirect_vreg.gather [hbm4b:s5+s2], $0x80, v4, vm0, $0xb8;
	[tilespmem:$0x18080] =	vst v63  }
0x83: {  	_ = 	snop  }
0x84: {  	[tilespmem:s10], [sflag:$0x1] =	stream.indirect_vreg.gather [hbm4b:s3+s2], $0x80, v3, vm0, $0xb8;
	[tilespmem:$0x18080] =	vst v63  }
0x85: {  	_ = 	snop  }
0x86: {  	[tilespmem:s11], [sflag:$0x1] =	stream.indirect_vreg.gather [hbm4b:s4+s2], $0x80, v3, vm0, $0xb8;
	[tilespmem:$0x18080] =	vst v63  }
0x87: {  	_ = 	snop  }
0x88: {  	[tilespmem:s12], [sflag:$0x1] =	stream.indirect_vreg.gather [hbm4b:s5+s2], $0x80, v3, vm0, $0xb8;
	[tilespmem:$0x18080] =	vst v63  }
0x89: {  	v3 =	vld [tilespmem:$0x50];
	_ =	sdelay $0x4  }
0x8a: {  	v61 =	vshrl.u32 v3, $0x3  }
0x8b: {  	v4 =	vmul.u32 $0x30, v61  }
0x8c: {  	v3 =	vand.u32 $0x7, v3  }
0x8d: {  	v3 =	vor.u32 v3, v4  }
0x8e: {  	v4 =	vperm.xlane v3, v0;
	_ =	sdelay $0x1  }
0x8f: {  	v4 =	vadd.s32 v1, v4;
	_ =	sdelay $0x3  }
0x90: {  	v3 =	vperm.xlane v3, v2  }
0x91: {  	[tilespmem:s13], [sflag:$0x1] =	stream.indirect_vreg.gather [hbm4b:s3+s2], $0x80, v4, vm0, $0xb8;
	[tilespmem:$0x18080] =	vst v63  }
0x92: {  	v3 =	vadd.s32 v1, v3  }
0x93: {  	[tilespmem:s14], [sflag:$0x1] =	stream.indirect_vreg.gather [hbm4b:s4+s2], $0x80, v4, vm0, $0xb8;
	[tilespmem:$0x18080] =	vst v63  }
0x94: {  	_ = 	snop  }
0x95: {  	[tilespmem:s15], [sflag:$0x1] =	stream.indirect_vreg.gather [hbm4b:s5+s2], $0x80, v4, vm0, $0xb8;
	[tilespmem:$0x18080] =	vst v63  }
0x96: {  	_ = 	snop  }
0x97: {  	[tilespmem:s16], [sflag:$0x1] =	stream.indirect_vreg.gather [hbm4b:s3+s2], $0x80, v3, vm0, $0xb8;
	[tilespmem:$0x18080] =	vst v63  }
0x98: {  	_ = 	snop  }
0x99: {  	[tilespmem:s17], [sflag:$0x1] =	stream.indirect_vreg.gather [hbm4b:s4+s2], $0x80, v3, vm0, $0xb8;
	[tilespmem:$0x18080] =	vst v63  }
0x9a: {  	_ = 	snop  }
0x9b: {  	[tilespmem:s18], [sflag:$0x1] =	stream.indirect_vreg.gather [hbm4b:s5+s2], $0x80, v3, vm0, $0xb8;
	[tilespmem:$0x18080] =	vst v63  }
0x9c: {  	v3 =	vld [tilespmem:$0x60];
	_ =	sdelay $0x4  }
0x9d: {  	v62 =	vshrl.u32 v3, $0x3  }
0x9e: {  	v4 =	vmul.u32 $0x30, v62  }
0x9f: {  	v3 =	vand.u32 $0x7, v3  }
0xa0: {  	v3 =	vor.u32 v3, v4  }
0xa1: {  	v4 =	vperm.xlane v3, v0;
	_ =	sdelay $0x1  }
0xa2: {  	v4 =	vadd.s32 v1, v4;
	_ =	sdelay $0x3  }
0xa3: {  	v3 =	vperm.xlane v3, v2  }
0xa4: {  	[tilespmem:s19], [sflag:$0x1] =	stream.indirect_vreg.gather [hbm4b:s3+s2], $0x80, v4, vm0, $0xb8;
	[tilespmem:$0x18080] =	vst v63  }
0xa5: {  	v3 =	vadd.s32 v1, v3  }
0xa6: {  	[tilespmem:s20], [sflag:$0x1] =	stream.indirect_vreg.gather [hbm4b:s4+s2], $0x80, v4, vm0, $0xb8;
	[tilespmem:$0x18080] =	vst v63  }
0xa7: {  	_ = 	snop  }
0xa8: {  	[tilespmem:s21], [sflag:$0x1] =	stream.indirect_vreg.gather [hbm4b:s5+s2], $0x80, v4, vm0, $0xb8;
	[tilespmem:$0x18080] =	vst v63  }
0xa9: {  	_ = 	snop  }
0xaa: {  	[tilespmem:s22], [sflag:$0x1] =	stream.indirect_vreg.gather [hbm4b:s3+s2], $0x80, v3, vm0, $0xb8;
	[tilespmem:$0x18080] =	vst v63  }
0xab: {  	_ = 	snop  }
0xac: {  	[tilespmem:s23], [sflag:$0x1] =	stream.indirect_vreg.gather [hbm4b:s4+s2], $0x80, v3, vm0, $0xb8;
	[tilespmem:$0x18080] =	vst v63  }
0xad: {  	_ = 	snop  }
0xae: {  	[tilespmem:s24], [sflag:$0x1] =	stream.indirect_vreg.gather [hbm4b:s5+s2], $0x80, v3, vm0, $0xb8;
	[tilespmem:$0x18080] =	vst v63  }
0xaf: {  	v3 =	vld [tilespmem:$0x70];
	_ =	sdelay $0x4  }
0xb0: {  	v63 =	vshrl.u32 v3, $0x3  }
0xb1: {  	v4 =	vmul.u32 $0x30, v63  }
0xb2: {  	v3 =	vand.u32 $0x7, v3  }
0xb3: {  	v3 =	vor.u32 v3, v4  }
0xb4: {  	v4 =	vperm.xlane v3, v0;
	_ =	sdelay $0x1  }
0xb5: {  	v4 =	vadd.s32 v1, v4;
	_ =	sdelay $0x3  }
0xb6: {  	v3 =	vperm.xlane v3, v2  }
0xb7: {  	[tilespmem:s25], [sflag:$0x1] =	stream.indirect_vreg.gather [hbm4b:s3+s2], $0x80, v4, vm0, $0xb8;
	[tilespmem:$0x18080] =	vst v63  }
0xb8: {  	v3 =	vadd.s32 v1, v3  }
0xb9: {  	[tilespmem:s26], [sflag:$0x1] =	stream.indirect_vreg.gather [hbm4b:s4+s2], $0x80, v4, vm0, $0xb8;
	[tilespmem:$0x18080] =	vst v63  }
0xba: {  	_ = 	snop  }
0xbb: {  	[tilespmem:s28], [sflag:$0x1] =	stream.indirect_vreg.gather [hbm4b:s5+s2], $0x80, v4, vm0, $0xb8;
	[tilespmem:$0x18080] =	vst v63  }
0xbc: {  	_ = 	snop  }
0xbd: {  	[tilespmem:s29], [sflag:$0x1] =	stream.indirect_vreg.gather [hbm4b:s3+s2], $0x80, v3, vm0, $0xb8;
	[tilespmem:$0x18080] =	vst v63  }
0xbe: {  	_ = 	snop  }
0xbf: {  	[tilespmem:s30], [sflag:$0x1] =	stream.indirect_vreg.gather [hbm4b:s4+s2], $0x80, v3, vm0, $0xb8;
	[tilespmem:$0x18080] =	vst v63  }
0xc0: {  	_ = 	snop  }
0xc1: {  	[tilespmem:s31], [sflag:$0x1] =	stream.indirect_vreg.gather [hbm4b:s5+s2], $0x80, v3, vm0, $0xb8;
	[tilespmem:$0x18080] =	vst v63  }
0xc2: {  	_ =	swait.ge [sflag:s1], $0x18000  }
0xc3: {  	p0 =	sne.s32 s6, $0x1;
	[sflag:s1] =	ssyncset.done $0x0  }
.Ltmp0:
0xc4: {  	s9 =	rddreg [dreg:$0x4];
	[sflag:s1] =	ssyncadd.s32 $0xFFFE8000;
	(pc) =	sbr.rel @p0 .LBB2_1-.Ltmp0, $4  }
0xc5: {  	[hbm4b:s9+s2] =	stream.linear.scatter [tilespmem:s8], [sflag:$0x2], $0x18000, $0x38;
	[tilespmem:$0x18080] =	vst v63  }
0xc6: {  	_ =	swait.ge [sflag:s7], $0x18000  }
0xc7: {  	[sflag:s7] =	ssyncset.done $0x0  }
0xc8: {  	s6 =	sadd.s32 $0xFFFFFFFF, s6;
	[sflag:s7] =	ssyncadd.s32 $0xFFFE8000  }
0xc9: {  	_ =	sfence.sel $0x180000  }
0xca: {  	[bflag:$0x0] =	sbarrier.arrive $0xFFFF  }
0xcb: {  	_ =	strace $0x90000047  }
0xcc: {  	s0 =	stileid.u32;
	[bflag:$0x2] =	sbarrier.arrive $0xFFFF  }
0xcd: {  	p0 =	sne.s32 s0, $0x0;
	s0 =	rddreg [dreg:$0x2]  }
0xce: {  	s0 =	sadd.s32 @!p0 $0x100000, s0  }
0xcf: {  	[sflag:s0] =	ssyncadd.tile.s32 @!p0 $0x1;
	_ =	shalt  }
.Lfunc_end2:
_tile_overlayer_lowered:
.L_overlay_start_2:
0xd0: {  	(tag) =	ssettag $0x2  }
0xd1: {  	s0 =	rddreg [dreg:$0x0];
	s2 =	stileid.u32  }
0xd2: {  	s1 =	rddreg [dreg:$0x1];
	p0 =	sne.s32 s2, $0x0  }
0xd3: {  	s3 =	rddreg [dreg:$0x2];
	[bflag:$0x3] =	sbarrier.arrive $0xFFFF;
	s2 =	simm.s32 @!p0 $0x1C02  }
0xd4: {  	[timem:s3], [sflag:s2] =	dma.local @!p0 [hbm:s0], s1  }
0xd5: {  	s0 =	simm.s32 @!p0 $0x2  }
0xd6: {  	_ =	swait.ge @!p0 [sflag:s0], s1  }
0xd7: {  	s1 =	ssub.s32 @!p0 $0x0, s1;
	[sflag:s0] =	ssyncset.done @!p0 $0x0  }
0xd8: {  	[sflag:s0] =	ssyncadd.s32 @!p0 s1  }
0xd9: {  	[bflag:$0x3] =	sbarrier.arrive $0xFFFF  }
0xda: {  	_ =	shalt  }

// kernel: kernel.9.cloned.1.call-start
scs
__scs_entry_jumppad:
0x0: {  	(pc) =	sbr.rel $0x88, $3  }
0x1: {  	(tag) =	ssettag $0x0;
	lr =	simm.s32 $0x1  }
0x2: {  	[smem:$0x3F9D] =	sst lr;
	_ =	strace $0xD0000000  }
0x3: {  	_ = 	snop  }
0x4: {  	_ = 	snop  }
0x5: {  	_ = 	snop  }
0x6: {  	_ = 	snop  }
0x7: {  	_ = 	snop  }
__scs_overlays_trampoline_lowered:
0x8: {  	[smem:$0x3FAC] =	sst s0  }
0x9: {  	[smem:$0x3FAD] =	sst s1  }
0xa: {  	[smem:$0x3FAE] =	sst s2  }
0xb: {  	[smem:$0x3FAF] =	sst s3  }
0xc: {  	[smem:$0x3FB0] =	sst s4  }
0xd: {  	[smem:$0x3FB1] =	sst s5  }
0xe: {  	[smem:$0x3FB2] =	sst s6  }
0xf: {  	[smem:$0x3FB3] =	sst s7  }
0x10: {  	[smem:$0x3FB4] =	sst s8  }
0x11: {  	[smem:$0x3FB5] =	sst s9;
	s0 =	simm.s32 @!p0 $0x0  }
0x12: {  	s1 =	sld [smem:$0x3F9B];
	s0 =	simm.s32 @p0 $0x1  }
0x13: {  	[smem:$0x3FB6] =	sst s0;
	s0 =	simm.s32 @!p1 $0x0  }
0x14: {  	s2 =	sld [smem:$0x3F9A];
	s0 =	simm.s32 @p1 $0x1  }
0x15: {  	[smem:$0x3FB7] =	sst s0;
	s0 =	simm.s32 @!p2 $0x0  }
0x16: {  	s3 =	sld [smem:$0x3FDB];
	s0 =	simm.s32 @p2 $0x1  }
0x17: {  	s4 =	simm.s32 $0x1BF5;
	[smem:$0x3FB9] =	sst s0  }
0x18: {  	s0 =	sld [smem:$0x3F9C];
	_ =	swait.ge [sflag:s4], $0x0  }
0x19: {  	s7 =	sld [smem:$0x3F9D]  }
0x1a: {  	s8 =	sadd.s32 $0xFFFFE003, lr  }
0x1b: {  	s9 =	sadd.s32 $0xFFFFFEF7, lr;
	s5 =	simm.s32 $0xFFFFFFFF;
	p2 =	slt.u32 s8, $0xFFFFF086  }
0x1c: {  	p1 =	slt.u32 s9, $0xF7A;
	s5 =	simm.s32 @!p2 $0x0  }
0x1d: {  	s5 =	simm.s32 @p1 $0x1;
	p0 =	seq.s32 s7, s2  }
0x1e: {  	s7 =	smul.u32 @!p0 $0xF7A, s2;
	p2 =	seq.s32 @!p0 s5, $0x0  }
0x1f: {  	s9 =	smul.u32 $0xF7A, s1;
	s8 =	simm.s32 @!p0 $0x1BF5;
	p2 =	por !p2, p0  }
0x20: {  	[sflag:s8] =	ssyncset.s32 @!p0 $0xFFFFF086;
	s6 =	sadd.s32 @!p0 s3, s7;
	s7 =	simm.s32 @!p0 $0x108  }
0x21: {  	s3 =	sadd.s32 s3, s9;
	s6 =	sadd.s32 @!p0 $0x88, s6;
	s7 =	simm.s32 @p2 $0x1082  }
0x22: {  	[simem:s7], [sflag:s8] =	dma.local @!p0 [hbm:s6], $0xF7A  }
0x23: {  	s9 =	sor.u32 $0xD0000000, s2;
	s6 =	simm.s32 $0x108;
	_ =	swait.ge @!p0 [sflag:s8], $0x0  }
0x24: {  	s3 =	sadd.s32 $0x88, s3;
	s6 =	simm.s32 @!p1 $0x1082;
	[sflag:s4] =	ssyncset.s32 $0xFFFFF086  }
0x25: {  	[simem:s6], [sflag:s4] =	dma.local [hbm:s3], $0xF7A  }
0x26: {  	[smem:$0x3F9D] =	sst s1;
	(tag) =	ssettag s2;
	_ =	strace s9  }
0x27: {  	s1 =	sld [smem:$0x3FAD]  }
0x28: {  	s2 =	sld [smem:$0x3FAE]  }
0x29: {  	s4 =	sld [smem:$0x3FB0]  }
0x2a: {  	p0 =	seq.s32 s5, $0x0;
	s5 =	sld [smem:$0x3FB1]  }
0x2b: {  	s6 =	sld [smem:$0x3FB2]  }
0x2c: {  	s7 =	sld [smem:$0x3FB3]  }
0x2d: {  	s3 =	simm.s32 $0x108;
	s8 =	sld [smem:$0x3FB4]  }
0x2e: {  	s3 =	simm.s32 @!p0 $0x1082;
	s9 =	sld [smem:$0x3FB5]  }
0x2f: {  	lr =	sadd.s32 s0, s3;
	s0 =	sld [smem:$0x3FAC]  }
0x30: {  	s3 =	sld [smem:$0x3FAF]  }
0x31: {  	[smem:$0x3FB8] =	sst s10  }
0x32: {  	s10 =	sld [smem:$0x3FB6];
	_ =	sdelay $0x3  }
0x33: {  	p0 =	seq.s32 s10, $0x1;
	s10 =	sld [smem:$0x3FB8];
	_ =	sdelay $0x3  }
0x34: {  	[smem:$0x3FB8] =	sst s10  }
0x35: {  	s10 =	sld [smem:$0x3FB7];
	_ =	sdelay $0x3  }
0x36: {  	p1 =	seq.s32 s10, $0x1;
	s10 =	sld [smem:$0x3FB8];
	_ =	sdelay $0x3  }
0x37: {  	[smem:$0x3FB8] =	sst s10  }
0x38: {  	s10 =	sld [smem:$0x3FB9]  }
0x39: {  	_ = 	snop;
	(pc) =	sbr.ind lr, $3  }
0x3a: {  	_ = 	snop  }
0x3b: {  	_ = 	snop  }
0x3c: {  	p2 =	seq.s32 s10, $0x1;
	s10 =	sld [smem:$0x3FB8]  }
0x3d: {  	_ =	shalt  }
0x3e: {  	_ =	shalt  }
0x3f: {  	_ =	shalt  }
0x40: {  	_ =	shalt  }
0x41: {  	_ =	shalt  }
0x42: {  	_ =	shalt  }
0x43: {  	_ =	shalt  }
0x44: {  	_ =	shalt  }
0x45: {  	_ =	shalt  }
0x46: {  	_ =	shalt  }
0x47: {  	_ =	shalt  }
0x48: {  	_ =	shalt  }
0x49: {  	_ =	shalt  }
0x4a: {  	_ =	shalt  }
0x4b: {  	_ =	shalt  }
0x4c: {  	_ =	shalt  }
0x4d: {  	_ =	shalt  }
0x4e: {  	_ =	shalt  }
0x4f: {  	_ =	shalt  }
0x50: {  	_ =	shalt  }
0x51: {  	_ =	shalt  }
0x52: {  	_ =	shalt  }
0x53: {  	_ =	shalt  }
0x54: {  	_ =	shalt  }
0x55: {  	_ =	shalt  }
0x56: {  	_ =	shalt  }
0x57: {  	_ =	shalt  }
0x58: {  	_ =	shalt  }
0x59: {  	_ =	shalt  }
0x5a: {  	_ =	shalt  }
0x5b: {  	_ =	shalt  }
0x5c: {  	_ =	shalt  }
0x5d: {  	_ =	shalt  }
0x5e: {  	_ =	shalt  }
0x5f: {  	_ =	shalt  }
0x60: {  	_ =	shalt  }
0x61: {  	_ =	shalt  }
0x62: {  	_ =	shalt  }
0x63: {  	_ =	shalt  }
0x64: {  	_ =	shalt  }
0x65: {  	_ =	shalt  }
0x66: {  	_ =	shalt  }
0x67: {  	_ =	shalt  }
0x68: {  	_ =	shalt  }
0x69: {  	_ =	shalt  }
0x6a: {  	_ =	shalt  }
0x6b: {  	_ =	shalt  }
0x6c: {  	_ =	shalt  }
0x6d: {  	_ =	shalt  }
0x6e: {  	_ =	shalt  }
0x6f: {  	_ =	shalt  }
0x70: {  	_ =	shalt  }
0x71: {  	_ =	shalt  }
0x72: {  	_ =	shalt  }
0x73: {  	_ =	shalt  }
0x74: {  	_ =	shalt  }
0x75: {  	_ =	shalt  }
0x76: {  	_ =	shalt  }
0x77: {  	_ =	shalt  }
0x78: {  	_ =	shalt  }
0x79: {  	_ =	shalt  }
0x7a: {  	_ =	shalt  }
0x7b: {  	_ =	shalt  }
0x7c: {  	_ =	shalt  }
0x7d: {  	_ =	shalt  }
0x7e: {  	_ =	shalt  }
0x7f: {  	_ =	shalt  }
0x80: {  	_ =	shalt  }
0x81: {  	_ =	shalt  }
0x82: {  	_ =	shalt  }
0x83: {  	_ =	shalt  }
0x84: {  	_ =	shalt  }
0x85: {  	_ =	shalt  }
0x86: {  	_ =	shalt  }
0x87: {  	_ =	shalt  }
.Lfunc_end0:
.L_simem_size_0:
called_computation.1_lowered:
.L_overlay_start_0:
0x88: {  	s2 =	sld [smem:$0x3FD9]  }
0x89: {  	s3 =	sld [smem:$0x3FFE];
	_ =	sdelay $0x1  }
0x8a: {  	s1 =	srdreg.scid  }
0x8b: {  	s0 =	sand.u32 $0x1, s1  }
0x8c: {  	s17 =	sshll.u32 s0, $0xA;
	s2 =	sadd.s32 s3, s2  }
0x8d: {  	s2 =	sadd.s32 s2, s17  }
0x8e: {  	[smem:$0x3FC4] =	sst s2  }
0x8f: {  	_ = 	snop  }
0x90: {  	s2 =	sld [smem:$0x3FD0];
	(tm) =	ssettm $0x1  }
0x91: {  	s18 =	sld [smem:$0x3FFB];
	_ =	sdelay $0x3  }
0x92: {  	_ =	strace s18  }
0x93: {  	s3 =	sld [smem:$0x3FFC];
	_ =	sdelay $0x3  }
0x94: {  	_ =	strace s3  }
0x95: {  	s3 =	sld [smem:$0x3FFD];
	_ =	sdelay $0x3  }
0x96: {  	_ =	strace s3  }
0x97: {  	_ =	strace $0x8FFFFFFF  }
0x98: {  	s19 =	sld [smem:$0x3FDB];
	_ =	sdelay $0x1  }
0x99: {  	s4 =	simm.s32 $_scs_section_size  }
0x9a: {  	s5 =	simm.s32 $_size__tile_overlayer_lowered;
	s6 =	simm.s32 $_tile_overlayer_lowered  }
0x9b: {  	s22 =	simm.s32 $0x1BFF;
	s21 =	sshll.u32 s6, $0x1;
	s3 =	sadd.s32 s4, s19  }
0x9c: {  	s7 =	simm.s32 $0x0;
	s20 =	sshll.u32 s5, $0x1;
	s5 =	sadd.s32 s21, s3  }
0x9d: {  	[timem:s7], [sflag:s22] =	dma.local [hbm:s5], s20  }
0x9e: {  	_ =	swait.ge [sflag:s22], s20  }
0x9f: {  	s4 =	ssub.s32 $0x0, s20;
	[sflag:s22] =	ssyncset.done $0x0  }
0xa0: {  	[sflag:s22] =	ssyncadd.s32 s4;
	_ =	sdelay $0x1  }
0xa1: {  	s23 =	simm.s32 $0x1B8B  }
0xa2: {  	_ =	swait.ge [sflag:s23], $0x1  }
0xa3: {  	[sflag:s23] =	ssyncset.done $0x0  }
0xa4: {  	s25 =	simm.s32 $0x1B8E;
	s24 =	sld [smem:$0x3FFE];
	[sflag:s23] =	ssyncadd.s32 $0xFFFFFFFF  }
0xa5: {  	s26 =	simm.s32 $execute0_lowered;
	[smem:$0x3FD2] =	sst s25  }
0xa6: {  	s5 =	sshll.u32 s26, $0x1;
	_ =	strace $0x80000049;
	[dreg:$0x1] =	wrdreg $0xFFFFFFFF  }
0xa7: {  	s28 =	simm.s32 $_size_execute0_lowered;
	s3 =	sadd.s32 s3, s5;
	[dreg:$0x0] =	wrdreg $0x0  }
0xa8: {  	s5 =	sshll.u32 s28, $0x1;
	[dreg:$0x2] =	wrdreg s3  }
0xa9: {  	[dreg:$0x3] =	wrdreg s5  }
0xaa: {  	[dreg:$0x4] =	wrdreg $0xC0  }
0xab: {  	_ =	task [dreg:s7], $0x5FFFF  }
0xac: {  	[dreg:$0x1] =	wrdreg $0xFFFFFFFF  }
0xad: {  	[dreg:$0x0] =	wrdreg $0x60  }
0xae: {  	[dreg:$0x2] =	wrdreg s24  }
0xaf: {  	[dreg:$0x3] =	wrdreg s2  }
0xb0: {  	[dreg:$0x4] =	wrdreg $0x9  }
0xb1: {  	_ =	task.clear_ibuf [dreg:s7], $0x5FFFF;
	_ =	strace $0x90000049  }
0xb2: {  	s29 =	simm.s32 $0x9;
	_ =	strace $0x8000004B  }
0xb3: {  	_ =	swait.ge [sflag:s29], $0x1  }
0xb4: {  	[sflag:s29] =	ssyncadd.s32 $0xFFFFFFFF  }
0xb5: {  	_ =	strace $0x9000004B  }
0xb6: {  	_ =	sfence  }
0xb7: {  	s30 =	sld [smem:$0x0];
	_ =	sdelay $0x2  }
0xb8: {  	s31 =	sshll.u32 s1, $0xD;
	s1 =	sshrl.u32 s1, $0x2  }
0xb9: {  	s3 =	sand.u32 $0x4000, s31;
	s1 =	sadd.s32 s1, s30  }
0xba: {  	s0 =	sor.u32 s3, s0;
	s1 =	sshll.u32 s1, $0x11  }
0xbb: {  	s0 =	sor.u32 s1, s0  }
0xbc: {  	s0 =	sadd.s32 $0x8F2B, s0  }
0xbd: {  	[sflag:s0] =	ssyncadd.remote.s32 $0x1  }
0xbe: {  	_ =	sfence.sel $0xFFFF  }
0xbf: {  	[dreg:$0x0] =	wrdreg $0xFFFFFFFF;
	(pc) =	sbr.abs _section_cstart, $3  }
0xc0: {  	[dreg:$0x1] =	wrdreg $0xFFFFFFFF  }
0xc1: {  	_ =	task.clear_ibuf [dreg:s7], $0x2FFFF;
	_ =	strace $0x9FFFFFFF  }
0xc2: {  	(tm) =	ssettm $0x7FFFFFFF  }
0xc3: {  	_ =	shalt  }
tec
execute0_lowered:
.L_overlay_start_1:
0x0: {  	(tag) =	ssettag $0x1  }
0x1: {  	s0 =	rddreg [dreg:$0x0]  }
0x2: {  	s5 =	rddreg [dreg:$0x1];
	s3 =	srdreg.scid  }
0x3: {  	s1 =	stileid.u32;
	s2 =	simm.s32 $0x0;
	s26 =	simm.s32 $0x880  }
0x4: {  	s10 =	simm.s32 $0x1880;
	s11 =	simm.s32 $0x2080;
	s12 =	simm.s32 $0x2880  }
0x5: {  	s13 =	simm.s32 $0x3080;
	s14 =	simm.s32 $0x3880;
	s15 =	simm.s32 $0x4080  }
0x6: {  	s16 =	simm.s32 $0x4880;
	s17 =	simm.s32 $0x5080;
	s18 =	simm.s32 $0x5880  }
0x7: {  	s19 =	simm.s32 $0x6080;
	s20 =	simm.s32 $0x6880;
	s21 =	simm.s32 $0x7080  }
0x8: {  	s22 =	simm.s32 $0x7880;
	s23 =	simm.s32 $0x8080;
	s28 =	simm.s32 $0xA080  }
0x9: {  	s29 =	simm.s32 $0xA880;
	s30 =	simm.s32 $0xB080;
	s31 =	simm.s32 $0xB880  }
0xa: {  	s3 =	sand.u32 $0x1, s3;
	s4 =	sshll.u32 s1, $0x1;
	[smem:$0x7FF] =	sst s2  }
0xb: {  	s4 =	sor.u32 s3, s4;
	_ =	strace $0x8000004A;
	s7 =	ssub.s32 $0x2, s3  }
0xc: {  	s3 =	sadd.s32 $0xC00, s0;
	[dreg:$0x5] =	wrdreg s26;
	s26 =	simm.s32 $0x9880  }
0xd: {  	s6 =	sshll.u32 s4, $0x4;
	s8 =	sshrl.u32 s7, $0x1;
	s9 =	smul.u32 $0x1800, s4  }
0xe: {  	s4 =	sadd.s32 $0xD00, s0;
	s6 =	sadd.s32 s6, s0;
	s7 =	ssub.s32 s7, s8  }
0xf: {  	s8 =	simm.s32 $0x80;
	s24 =	sadd.s32 $0x97000, s6;
	s25 =	sadd.s32 s5, s9  }
0x10: {  	v2 =	vlaneseq.u32;
	s5 =	sadd.s32 $0xE00, s0;
	s6 =	smax.u32 s7, $0x1;
	s7 =	simm.s32 $0x2  }
0x11: {  	vm0 =	vmmov $0xffff;
	v1 =	vshrl.u32 v2, $0x3;
	s9 =	simm.s32 $0x1080;
	s0 =	simm.s32 $0x1;
	[dreg:$0x3] =	wrdreg s24  }
0x12: {  	v0 =	vand.u32 $0x7, v2;
	v2 =	vor.u32 $0x8, v2;
	v1 =	vmul.u32 $0x8, v1;
	[dreg:$0x4] =	wrdreg s25;
	s24 =	simm.s32 $0x8880;
	s25 =	simm.s32 $0x9080  }
.LBB2_1:
0x13: {  	s1 =	rddreg [dreg:$0x3]  }
0x14: {  	[tilespmem:s2], [sflag:$0x2] =	stream.linear.gather [hbm4b:s1+s2], $0x80, $0x38;
	[tilespmem:$0xC080] =	vst v63  }
0x15: {  	_ =	swait.ge [sflag:s7], $0x80  }
0x16: {  	[sflag:s7] =	ssyncset.done $0x0  }
0x17: {  	[sflag:s7] =	ssyncadd.s32 $0xFFFFFF80  }
0x18: {  	v3 =	vld [tilespmem:$0x0];
	_ =	sdelay $0x4  }
0x19: {  	v4 =	vshrl.u32 v3, $0x3  }
0x1a: {  	v4 =	vmul.u32 $0x30, v4  }
0x1b: {  	v3 =	vand.u32 $0x7, v3  }
0x1c: {  	v3 =	vor.u32 v3, v4  }
0x1d: {  	v4 =	vperm.xlane v3, v0;
	_ =	sdelay $0x1  }
0x1e: {  	v4 =	vadd.s32 v1, v4;
	_ =	sdelay $0x3  }
0x1f: {  	v3 =	vperm.xlane v3, v2  }
0x20: {  	[tilespmem:s8], [sflag:$0x1] =	stream.indirect_vreg.gather [hbm4b:s3+s2], $0x80, v4, vm0, $0xb8;
	[tilespmem:$0xC080] =	vst v63  }
0x21: {  	s1 =	rddreg [dreg:$0x5];
	v3 =	vadd.s32 v1, v3  }
0x22: {  	[tilespmem:s1], [sflag:$0x1] =	stream.indirect_vreg.gather [hbm4b:s4+s2], $0x80, v4, vm0, $0xb8;
	[tilespmem:$0xC080] =	vst v63  }
0x23: {  	_ = 	snop  }
0x24: {  	[tilespmem:s9], [sflag:$0x1] =	stream.indirect_vreg.gather [hbm4b:s5+s2], $0x80, v4, vm0, $0xb8;
	[tilespmem:$0xC080] =	vst v63  }
0x25: {  	_ = 	snop  }
0x26: {  	[tilespmem:s10], [sflag:$0x1] =	stream.indirect_vreg.gather [hbm4b:s3+s2], $0x80, v3, vm0, $0xb8;
	[tilespmem:$0xC080] =	vst v63  }
0x27: {  	_ = 	snop  }
0x28: {  	[tilespmem:s11], [sflag:$0x1] =	stream.indirect_vreg.gather [hbm4b:s4+s2], $0x80, v3, vm0, $0xb8;
	[tilespmem:$0xC080] =	vst v63  }
0x29: {  	_ = 	snop  }
0x2a: {  	[tilespmem:s12], [sflag:$0x1] =	stream.indirect_vreg.gather [hbm4b:s5+s2], $0x80, v3, vm0, $0xb8;
	[tilespmem:$0xC080] =	vst v63  }
0x2b: {  	v3 =	vld [tilespmem:$0x10];
	_ =	sdelay $0x4  }
0x2c: {  	v61 =	vshrl.u32 v3, $0x3  }
0x2d: {  	v4 =	vmul.u32 $0x30, v61  }
0x2e: {  	v3 =	vand.u32 $0x7, v3  }
0x2f: {  	v3 =	vor.u32 v3, v4  }
0x30: {  	v4 =	vperm.xlane v3, v0;
	_ =	sdelay $0x1  }
0x31: {  	v4 =	vadd.s32 v1, v4;
	_ =	sdelay $0x3  }
0x32: {  	v3 =	vperm.xlane v3, v2  }
0x33: {  	[tilespmem:s13], [sflag:$0x1] =	stream.indirect_vreg.gather [hbm4b:s3+s2], $0x80, v4, vm0, $0xb8;
	[tilespmem:$0xC080] =	vst v63  }
0x34: {  	v3 =	vadd.s32 v1, v3  }
0x35: {  	[tilespmem:s14], [sflag:$0x1] =	stream.indirect_vreg.gather [hbm4b:s4+s2], $0x80, v4, vm0, $0xb8;
	[tilespmem:$0xC080] =	vst v63  }
0x36: {  	_ = 	snop  }
0x37: {  	[tilespmem:s15], [sflag:$0x1] =	stream.indirect_vreg.gather [hbm4b:s5+s2], $0x80, v4, vm0, $0xb8;
	[tilespmem:$0xC080] =	vst v63  }
0x38: {  	_ = 	snop  }
0x39: {  	[tilespmem:s16], [sflag:$0x1] =	stream.indirect_vreg.gather [hbm4b:s3+s2], $0x80, v3, vm0, $0xb8;
	[tilespmem:$0xC080] =	vst v63  }
0x3a: {  	_ = 	snop  }
0x3b: {  	[tilespmem:s17], [sflag:$0x1] =	stream.indirect_vreg.gather [hbm4b:s4+s2], $0x80, v3, vm0, $0xb8;
	[tilespmem:$0xC080] =	vst v63  }
0x3c: {  	_ = 	snop  }
0x3d: {  	[tilespmem:s18], [sflag:$0x1] =	stream.indirect_vreg.gather [hbm4b:s5+s2], $0x80, v3, vm0, $0xb8;
	[tilespmem:$0xC080] =	vst v63  }
0x3e: {  	v3 =	vld [tilespmem:$0x20];
	_ =	sdelay $0x4  }
0x3f: {  	v62 =	vshrl.u32 v3, $0x3  }
0x40: {  	v4 =	vmul.u32 $0x30, v62  }
0x41: {  	v3 =	vand.u32 $0x7, v3  }
0x42: {  	v3 =	vor.u32 v3, v4  }
0x43: {  	v4 =	vperm.xlane v3, v0;
	_ =	sdelay $0x1  }
0x44: {  	v4 =	vadd.s32 v1, v4;
	_ =	sdelay $0x3  }
0x45: {  	v3 =	vperm.xlane v3, v2  }
0x46: {  	[tilespmem:s19], [sflag:$0x1] =	stream.indirect_vreg.gather [hbm4b:s3+s2], $0x80, v4, vm0, $0xb8;
	[tilespmem:$0xC080] =	vst v63  }
0x47: {  	v3 =	vadd.s32 v1, v3  }
0x48: {  	[tilespmem:s20], [sflag:$0x1] =	stream.indirect_vreg.gather [hbm4b:s4+s2], $0x80, v4, vm0, $0xb8;
	[tilespmem:$0xC080] =	vst v63  }
0x49: {  	_ = 	snop  }
0x4a: {  	[tilespmem:s21], [sflag:$0x1] =	stream.indirect_vreg.gather [hbm4b:s5+s2], $0x80, v4, vm0, $0xb8;
	[tilespmem:$0xC080] =	vst v63  }
0x4b: {  	_ = 	snop  }
0x4c: {  	[tilespmem:s22], [sflag:$0x1] =	stream.indirect_vreg.gather [hbm4b:s3+s2], $0x80, v3, vm0, $0xb8;
	[tilespmem:$0xC080] =	vst v63  }
0x4d: {  	_ = 	snop  }
0x4e: {  	[tilespmem:s23], [sflag:$0x1] =	stream.indirect_vreg.gather [hbm4b:s4+s2], $0x80, v3, vm0, $0xb8;
	[tilespmem:$0xC080] =	vst v63  }
0x4f: {  	_ = 	snop  }
0x50: {  	[tilespmem:s24], [sflag:$0x1] =	stream.indirect_vreg.gather [hbm4b:s5+s2], $0x80, v3, vm0, $0xb8;
	[tilespmem:$0xC080] =	vst v63  }
0x51: {  	v3 =	vld [tilespmem:$0x30];
	_ =	sdelay $0x4  }
0x52: {  	v63 =	vshrl.u32 v3, $0x3  }
0x53: {  	v4 =	vmul.u32 $0x30, v63  }
0x54: {  	v3 =	vand.u32 $0x7, v3  }
0x55: {  	v3 =	vor.u32 v3, v4  }
0x56: {  	v4 =	vperm.xlane v3, v0;
	_ =	sdelay $0x1  }
0x57: {  	v4 =	vadd.s32 v1, v4;
	_ =	sdelay $0x3  }
0x58: {  	v3 =	vperm.xlane v3, v2  }
0x59: {  	[tilespmem:s25], [sflag:$0x1] =	stream.indirect_vreg.gather [hbm4b:s3+s2], $0x80, v4, vm0, $0xb8;
	[tilespmem:$0xC080] =	vst v63  }
0x5a: {  	v3 =	vadd.s32 v1, v3  }
0x5b: {  	[tilespmem:s26], [sflag:$0x1] =	stream.indirect_vreg.gather [hbm4b:s4+s2], $0x80, v4, vm0, $0xb8;
	[tilespmem:$0xC080] =	vst v63  }
0x5c: {  	_ = 	snop  }
0x5d: {  	[tilespmem:s28], [sflag:$0x1] =	stream.indirect_vreg.gather [hbm4b:s5+s2], $0x80, v4, vm0, $0xb8;
	[tilespmem:$0xC080] =	vst v63  }
0x5e: {  	_ = 	snop  }
0x5f: {  	[tilespmem:s29], [sflag:$0x1] =	stream.indirect_vreg.gather [hbm4b:s3+s2], $0x80, v3, vm0, $0xb8;
	[tilespmem:$0xC080] =	vst v63  }
0x60: {  	_ = 	snop  }
0x61: {  	[tilespmem:s30], [sflag:$0x1] =	stream.indirect_vreg.gather [hbm4b:s4+s2], $0x80, v3, vm0, $0xb8;
	[tilespmem:$0xC080] =	vst v63  }
0x62: {  	_ = 	snop  }
0x63: {  	[tilespmem:s31], [sflag:$0x1] =	stream.indirect_vreg.gather [hbm4b:s5+s2], $0x80, v3, vm0, $0xb8;
	[tilespmem:$0xC080] =	vst v63  }
0x64: {  	_ =	swait.ge [sflag:s0], $0xC000  }
0x65: {  	p0 =	sne.s32 s6, $0x1;
	[sflag:s0] =	ssyncset.done $0x0  }
.Ltmp0:
0x66: {  	s1 =	rddreg [dreg:$0x4];
	[sflag:s0] =	ssyncadd.s32 $0xFFFF4000;
	(pc) =	sbr.rel @p0 .LBB2_1-.Ltmp0, $4  }
0x67: {  	[hbm4b:s1+s2] =	stream.linear.scatter [tilespmem:s8], [sflag:$0x2], $0xC000, $0x38;
	[tilespmem:$0xC080] =	vst v63  }
0x68: {  	_ =	swait.ge [sflag:s7], $0xC000  }
0x69: {  	[sflag:s7] =	ssyncset.done $0x0  }
0x6a: {  	s6 =	sadd.s32 $0xFFFFFFFF, s6;
	[sflag:s7] =	ssyncadd.s32 $0xFFFF4000  }
0x6b: {  	_ =	sfence.sel $0x180000  }
0x6c: {  	[bflag:$0x0] =	sbarrier.arrive $0xFFFF  }
0x6d: {  	_ =	strace $0x9000004A  }
0x6e: {  	s0 =	stileid.u32;
	[bflag:$0x2] =	sbarrier.arrive $0xFFFF  }
0x6f: {  	p0 =	sne.s32 s0, $0x0;
	s0 =	rddreg [dreg:$0x2]  }
0x70: {  	s0 =	sadd.s32 @!p0 $0x100000, s0  }
0x71: {  	[sflag:s0] =	ssyncadd.tile.s32 @!p0 $0x1;
	_ =	shalt  }
.Lfunc_end2:
_tile_overlayer_lowered:
.L_overlay_start_2:
0x72: {  	(tag) =	ssettag $0x2  }
0x73: {  	s0 =	rddreg [dreg:$0x0];
	s2 =	stileid.u32  }
0x74: {  	s1 =	rddreg [dreg:$0x1];
	p0 =	sne.s32 s2, $0x0  }
0x75: {  	s3 =	rddreg [dreg:$0x2];
	[bflag:$0x3] =	sbarrier.arrive $0xFFFF;
	s2 =	simm.s32 @!p0 $0x1C02  }
0x76: {  	[timem:s3], [sflag:s2] =	dma.local @!p0 [hbm:s0], s1  }
0x77: {  	s0 =	simm.s32 @!p0 $0x2  }
0x78: {  	_ =	swait.ge @!p0 [sflag:s0], s1  }
0x79: {  	s1 =	ssub.s32 @!p0 $0x0, s1;
	[sflag:s0] =	ssyncset.done @!p0 $0x0  }
0x7a: {  	[sflag:s0] =	ssyncadd.s32 @!p0 s1  }
0x7b: {  	[bflag:$0x3] =	sbarrier.arrive $0xFFFF  }
0x7c: {  	_ =	shalt  }

</sc_bundles>
